<compile_context>
chip_gen: v7x
topology: tpu7x:2x2x1
jax: 0.10.2.dev20260603
libtpu: 0.0.44.dev20260713+nightly
codegen_flags: <defaults>
</compile_context>

<pallas_src>
import jax
import jax.numpy as jnp
from jax import lax
from jax.experimental import pallas as pl
from jax.experimental.pallas import tpu as pltpu
from jax.experimental.pallas import tpu_sc as plsc

BATCH = 4
SEQ_LEN = 4096
D_MODEL = 2560
NUM_TOKENS = BATCH * SEQ_LEN

NUM_CORES = 2
NUM_SUBCORES = 16
NUM_WORKERS = NUM_CORES * NUM_SUBCORES
IDS_PER_WORKER = NUM_TOKENS // NUM_WORKERS
WORKERS_PER_BATCH = SEQ_LEN // IDS_PER_WORKER

C = 8
NBUF = 4
NUM_CHUNKS = IDS_PER_WORKER // C


def kernel(token_ids, table):
    token_ids = token_ids.astype(jnp.int32)
    mesh = plsc.VectorSubcoreMesh(core_axis_name="c", subcore_axis_name="s")

    @pl.kernel(
        out_type=jax.ShapeDtypeStruct((BATCH, SEQ_LEN, D_MODEL), jnp.float32),
        mesh=mesh,
        scratch_types=(
            [pltpu.VMEM((IDS_PER_WORKER,), jnp.int32)]
            + [pltpu.VMEM((C, D_MODEL), jnp.float32) for _ in range(NBUF)]
            + [pltpu.SemaphoreType.DMA for _ in range(2 * NBUF)]
        ),
    )
    def gather_kernel(table_hbm, ids_hbm, out_hbm, idx_v, *bufs_sems):
        bufs = bufs_sems[:NBUF]
        gsems = bufs_sems[NBUF:2 * NBUF]
        osems = bufs_sems[2 * NBUF:]

        wid = lax.axis_index("s") * NUM_CORES + lax.axis_index("c")
        batch = wid // WORKERS_PER_BATCH
        scol = (wid % WORKERS_PER_BATCH) * IDS_PER_WORKER
        pltpu.sync_copy(ids_hbm.at[batch, pl.ds(scol, IDS_PER_WORKER)], idx_v)

        def gather_start(chunk, b):
            pltpu.async_copy(
                table_hbm.at[idx_v.at[pl.ds(chunk * C, C)]], bufs[b], gsems[b]
            )

        for b in range(NBUF - 1):
            gather_start(b, b)

        @pl.loop(0, NUM_CHUNKS, step=NBUF)
        def _(i):
            for b in range(NBUF):
                chunk = i + b
                bp = (b - 1) % NBUF
                nxt = chunk + NBUF - 1

                @pl.when(jnp.logical_and(chunk >= 1, nxt < NUM_CHUNKS))
                def _():
                    pltpu.make_async_copy(
                        bufs[bp], out_hbm.at[batch, pl.ds(scol, C)], osems[bp]
                    ).wait()

                @pl.when(nxt < NUM_CHUNKS)
                def _():
                    gather_start(nxt, bp)

                pltpu.make_async_copy(
                    table_hbm.at[idx_v.at[pl.ds(chunk * C, C)]],
                    bufs[b], gsems[b],
                ).wait()
                pltpu.async_copy(
                    bufs[b],
                    out_hbm.at[batch, pl.ds(scol + chunk * C, C)],
                    osems[b],
                )

        for b in range(NBUF):
            pltpu.make_async_copy(
                bufs[b], out_hbm.at[batch, pl.ds(scol, C)], osems[b]
            ).wait()

    return gather_kernel(table, token_ids)

# --- scband reference (transcript-rebuilt; emitter-appended) ---
"""Pipeline reference for scband-embedding-70059506532929 (READ-ONLY COPY).

The authoritative reference and input builder live on the scoring server;
editing this copy changes nothing except your own understanding.
"""

import jax, jax.numpy as jnp
import numpy as np

VOCAB_SIZE = 151936
D_MODEL = 2560
BATCH = 4
SEQ_LEN = 4096


def setup_inputs(seed: int = 0) -> dict:
    key = jax.random.key(seed)
    k_ids, k_table = jax.random.split(key)
    token_ids = jax.random.randint(k_ids, (BATCH, SEQ_LEN), 0, VOCAB_SIZE, dtype=jnp.int64 if jax.config.jax_enable_x64 else jnp.int32)
    # Embedding table (learned parameter), N(0,1) init like torch default
    table = jax.random.normal(k_table, (VOCAB_SIZE, D_MODEL), dtype=jnp.float32)
    return {"token_ids": token_ids, "table": table}


def reference(token_ids, table):
    # nn.Embedding forward: pure row gather from the embedding table
    return jnp.take(table, token_ids, axis=0)

if __name__ == "__main__":
    import jax
    _d = setup_inputs()
    print(jax.jit(kernel)(*tuple(_d.values())))

</pallas_src>

<mosaic_0001>
#map = affine_map<(d0, d1) -> (0, 0)>
#map1 = affine_map<(d0, d1) -> (0, 0, 0)>
module attributes {stable_mosaic.version = 14 : i64} {
  func.func @gather_kernel(%arg0: i32, %arg1: i32, %arg2: memref<151936x2560xf32, #tpu.memory_space<hbm>>, %arg3: memref<4x4096xi32, #tpu.memory_space<hbm>>, %arg4: memref<4x4096x2560xf32, #tpu.memory_space<hbm>>, %arg5: memref<512xi32, #tpu.memory_space<vmem>>, %arg6: memref<8x2560xf32, #tpu.memory_space<vmem>>, %arg7: memref<8x2560xf32, #tpu.memory_space<vmem>>, %arg8: memref<8x2560xf32, #tpu.memory_space<vmem>>, %arg9: memref<8x2560xf32, #tpu.memory_space<vmem>>, %arg10: memref<!tpu.dma_semaphore, #tpu.memory_space<semaphore_mem>>, %arg11: memref<!tpu.dma_semaphore, #tpu.memory_space<semaphore_mem>>, %arg12: memref<!tpu.dma_semaphore, #tpu.memory_space<semaphore_mem>>, %arg13: memref<!tpu.dma_semaphore, #tpu.memory_space<semaphore_mem>>, %arg14: memref<!tpu.dma_semaphore, #tpu.memory_space<semaphore_mem>>, %arg15: memref<!tpu.dma_semaphore, #tpu.memory_space<semaphore_mem>>, %arg16: memref<!tpu.dma_semaphore, #tpu.memory_space<semaphore_mem>>, %arg17: memref<!tpu.dma_semaphore, #tpu.memory_space<semaphore_mem>>) attributes {dimension_semantics = [#tpu.dimension_semantics<core_parallel>, #tpu.dimension_semantics<subcore_parallel>], iteration_bounds = array<i64: 2, 16>, scalar_prefetch = 0 : i64, scratch_operands = 13 : i64, tpu.core_type = #tpu.core_type<sc_vector_subcore>, window_params = [{transform_indices = #map}, {transform_indices = #map}, {transform_indices = #map1}]} {
    %mul3A = arith.constant 2 : i32
    %mul3A_0 = arith.muli %arg1, %mul3A : i32
    %add3A = arith.addi %mul3A_0, %arg0 : i32
    %jit3A = arith.constant 8 : i32
    %div3A = arith.divsi %add3A, %jit3A : i32
    %sign3A = arith.constant 0 : i32
    %sign3A_1 = arith.cmpi sgt, %add3A, %sign3A : i32
    %sign3A_2 = arith.extui %sign3A_1 : i1 to i32
    %sign3A_3 = arith.constant 0 : i32
    %sign3A_4 = arith.cmpi slt, %add3A, %sign3A_3 : i32
    %sign3A_5 = arith.extui %sign3A_4 : i1 to i32
    %sign3A_6 = arith.subi %sign3A_2, %sign3A_5 : i32
    %sign3A_7 = arith.constant 0 : i32
    %sign3A_8 = arith.cmpi sgt, %jit3A, %sign3A_7 : i32
    %sign3A_9 = arith.extui %sign3A_8 : i1 to i32
    %sign3A_10 = arith.constant 0 : i32
    %sign3A_11 = arith.cmpi slt, %jit3A, %sign3A_10 : i32
    %sign3A_12 = arith.extui %sign3A_11 : i1 to i32
    %sign3A_13 = arith.subi %sign3A_9, %sign3A_12 : i32
    %ne3A = arith.cmpi ne, %sign3A_6, %sign3A_13 : i32
    %rem3A = arith.remsi %add3A, %jit3A : i32
    %ne3A_14 = arith.constant 0 : i32
    %ne3A_15 = arith.cmpi ne, %rem3A, %ne3A_14 : i32
    %and3A = arith.andi %ne3A, %ne3A_15 : i1
    %sub3A = arith.constant 1 : i32
    %sub3A_16 = arith.subi %div3A, %sub3A : i32
    %select_n3A = arith.select %and3A, %sub3A_16, %div3A : i32
    %jit3A_17 = arith.constant 8 : i32
    %eq3A = arith.constant 0 : i32
    %eq3A_18 = arith.cmpi eq, %jit3A_17, %eq3A : i32
    %jit3A_19 = arith.constant 1 : i32
    %select_n3A_20 = arith.select %eq3A_18, %jit3A_19, %jit3A_17 : i32
    %rem3A_21 = arith.remsi %add3A, %select_n3A_20 : i32
    %ne3A_22 = arith.constant 0 : i32
    %ne3A_23 = arith.cmpi ne, %rem3A_21, %ne3A_22 : i32
    %lt3A = arith.constant 0 : i32
    %lt3A_24 = arith.cmpi slt, %rem3A_21, %lt3A : i32
    %lt3A_25 = arith.constant 0 : i32
    %lt3A_26 = arith.cmpi slt, %select_n3A_20, %lt3A_25 : i32
    %ne3A_27 = arith.xori %lt3A_24, %lt3A_26 : i1
    %and3A_28 = arith.andi %ne3A_27, %ne3A_23 : i1
    %add3A_29 = arith.addi %rem3A_21, %select_n3A_20 : i32
    %select_n3A_30 = arith.select %and3A_28, %add3A_29, %rem3A_21 : i32
    %mul3A_31 = arith.constant 512 : i32
    %mul3A_32 = arith.muli %select_n3A_30, %mul3A_31 : i32
    "tpu.region"() ({
      %run_scoped3A = tpu.sem_alloc : memref<!tpu.dma_semaphore, #tpu.memory_space<semaphore_mem>>
      %dma_start3A_74 = tpu.memref_slice %arg3[%select_n3A, %mul3A_32] : memref<4x4096xi32, #tpu.memory_space<hbm>> -> memref<1x512xi32, #tpu.memory_space<hbm>>
      %dma_start3A_75 = tpu.memref_squeeze %dma_start3A_74 : memref<1x512xi32, #tpu.memory_space<hbm>> -> memref<512xi32, #tpu.memory_space<hbm>>
      %dma_start3A_76 = tpu.memref_slice %arg3[%select_n3A, %mul3A_32] : memref<4x4096xi32, #tpu.memory_space<hbm>> -> memref<1x512xi32, #tpu.memory_space<hbm>>
      %dma_start3A_77 = tpu.memref_squeeze %dma_start3A_76 : memref<1x512xi32, #tpu.memory_space<hbm>> -> memref<512xi32, #tpu.memory_space<hbm>>
      tpu.enqueue_dma source(%dma_start3A_77 : memref<512xi32, #tpu.memory_space<hbm>>) target(%arg5 : memref<512xi32, #tpu.memory_space<vmem>>) target_semaphore(%run_scoped3A : memref<!tpu.dma_semaphore, #tpu.memory_space<semaphore_mem>>)
      %dma_wait3A_78 = tpu.memref_slice %arg3[%select_n3A, %mul3A_32] : memref<4x4096xi32, #tpu.memory_space<hbm>> -> memref<1x512xi32, #tpu.memory_space<hbm>>
      %dma_wait3A_79 = tpu.memref_squeeze %dma_wait3A_78 : memref<1x512xi32, #tpu.memory_space<hbm>> -> memref<512xi32, #tpu.memory_space<hbm>>
      %dma_wait3A_80 = tpu.memref_slice %arg3[%select_n3A, %mul3A_32] : memref<4x4096xi32, #tpu.memory_space<hbm>> -> memref<1x512xi32, #tpu.memory_space<hbm>>
      %dma_wait3A_81 = tpu.memref_squeeze %dma_wait3A_80 : memref<1x512xi32, #tpu.memory_space<hbm>> -> memref<512xi32, #tpu.memory_space<hbm>>
      tpu.wait_dma2 semaphore(%run_scoped3A : memref<!tpu.dma_semaphore, #tpu.memory_space<semaphore_mem>>) src(%dma_wait3A_81 : memref<512xi32, #tpu.memory_space<hbm>>) dst(%arg5 : memref<512xi32, #tpu.memory_space<vmem>>)
      tpu.yield
    }) : () -> ()
    %dma_start3A = arith.constant 0 : i32
    %dma_start3A_33 = tpu.memref_slice %arg5[%dma_start3A] : memref<512xi32, #tpu.memory_space<vmem>> -> memref<8xi32, #tpu.memory_space<vmem>>
    %dma_start3A_34 = arith.constant 0 : i32
    %dma_start3A_35 = arith.constant 0 : i32
    %dma_start3A_36 = tpu.memref_slice %arg2[%dma_start3A_34, %dma_start3A_35] : memref<151936x2560xf32, #tpu.memory_space<hbm>> -> memref<151936x2560xf32, #tpu.memory_space<hbm>>
    tpu.enqueue_indirect_dma source(%dma_start3A_36 : memref<151936x2560xf32, #tpu.memory_space<hbm>>) target(%arg6 : memref<8x2560xf32, #tpu.memory_space<vmem>>) offsets(%dma_start3A_33 : memref<8xi32, #tpu.memory_space<vmem>>) semaphore(%arg10 : memref<!tpu.dma_semaphore, #tpu.memory_space<semaphore_mem>>)
    %dma_start3A_37 = arith.constant 8 : i32
    %dma_start3A_38 = tpu.memref_slice %arg5[%dma_start3A_37] : memref<512xi32, #tpu.memory_space<vmem>> -> memref<8xi32, #tpu.memory_space<vmem>>
    %dma_start3A_39 = arith.constant 0 : i32
    %dma_start3A_40 = arith.constant 0 : i32
    %dma_start3A_41 = tpu.memref_slice %arg2[%dma_start3A_39, %dma_start3A_40] : memref<151936x2560xf32, #tpu.memory_space<hbm>> -> memref<151936x2560xf32, #tpu.memory_space<hbm>>
    tpu.enqueue_indirect_dma source(%dma_start3A_41 : memref<151936x2560xf32, #tpu.memory_space<hbm>>) target(%arg7 : memref<8x2560xf32, #tpu.memory_space<vmem>>) offsets(%dma_start3A_38 : memref<8xi32, #tpu.memory_space<vmem>>) semaphore(%arg11 : memref<!tpu.dma_semaphore, #tpu.memory_space<semaphore_mem>>)
    %dma_start3A_42 = arith.constant 16 : i32
    %dma_start3A_43 = tpu.memref_slice %arg5[%dma_start3A_42] : memref<512xi32, #tpu.memory_space<vmem>> -> memref<8xi32, #tpu.memory_space<vmem>>
    %dma_start3A_44 = arith.constant 0 : i32
    %dma_start3A_45 = arith.constant 0 : i32
    %dma_start3A_46 = tpu.memref_slice %arg2[%dma_start3A_44, %dma_start3A_45] : memref<151936x2560xf32, #tpu.memory_space<hbm>> -> memref<151936x2560xf32, #tpu.memory_space<hbm>>
    tpu.enqueue_indirect_dma source(%dma_start3A_46 : memref<151936x2560xf32, #tpu.memory_space<hbm>>) target(%arg8 : memref<8x2560xf32, #tpu.memory_space<vmem>>) offsets(%dma_start3A_43 : memref<8xi32, #tpu.memory_space<vmem>>) semaphore(%arg12 : memref<!tpu.dma_semaphore, #tpu.memory_space<semaphore_mem>>)
    %scan3A = arith.constant 0 : i32
    %scan3A_47 = arith.constant 16 : i32
    %scan3A_48 = arith.addi %scan3A, %scan3A_47 : i32
    %scan3A_49 = arith.constant 1 : i32
    scf.for %scan3A_74 = %scan3A to %scan3A_48 step %scan3A_49  : i32 {
      %mul3A_75 = arith.constant 4 : i32
      %mul3A_76 = arith.muli %scan3A_74, %mul3A_75 : i32
      %add3A_77 = arith.constant 0 : i32
      %add3A_78 = arith.addi %add3A_77, %mul3A_76 : i32
      %add3A_79 = arith.constant 0 : i32
      %add3A_80 = arith.addi %add3A_78, %add3A_79 : i32
      %add3A_81 = arith.constant 4 : i32
      %add3A_82 = arith.addi %add3A_80, %add3A_81 : i32
      %sub3A_83 = arith.constant 1 : i32
      %sub3A_84 = arith.subi %add3A_82, %sub3A_83 : i32
      %ge3A = arith.constant 1 : i32
      %ge3A_85 = arith.cmpi sge, %add3A_80, %ge3A : i32
      %lt3A_86 = arith.constant 64 : i32
      %lt3A_87 = arith.cmpi slt, %sub3A_84, %lt3A_86 : i32
      %and3A_88 = arith.andi %ge3A_85, %lt3A_87 : i1
      %convert_element_type3A = arith.extui %and3A_88 : i1 to i32
      %cond3A = arith.constant 0 : i32
      %cond3A_89 = arith.cmpi ne, %convert_element_type3A, %cond3A : i32
      scf.if %cond3A_89 {
        %dma_wait3A_212 = arith.constant 0 : i32
        %dma_wait3A_213 = tpu.memref_slice %arg4[%select_n3A, %mul3A_32, %dma_wait3A_212] : memref<4x4096x2560xf32, #tpu.memory_space<hbm>> -> memref<1x8x2560xf32, #tpu.memory_space<hbm>>
        %dma_wait3A_214 = tpu.memref_squeeze %dma_wait3A_213 : memref<1x8x2560xf32, #tpu.memory_space<hbm>> -> memref<8x2560xf32, #tpu.memory_space<hbm>>
        %dma_wait3A_215 = arith.constant 0 : i32
        %dma_wait3A_216 = tpu.memref_slice %arg4[%select_n3A, %mul3A_32, %dma_wait3A_215] : memref<4x4096x2560xf32, #tpu.memory_space<hbm>> -> memref<1x8x2560xf32, #tpu.memory_space<hbm>>
        %dma_wait3A_217 = tpu.memref_squeeze %dma_wait3A_216 : memref<1x8x2560xf32, #tpu.memory_space<hbm>> -> memref<8x2560xf32, #tpu.memory_space<hbm>>
        tpu.wait_dma2 semaphore(%arg17 : memref<!tpu.dma_semaphore, #tpu.memory_space<semaphore_mem>>) src(%arg9 : memref<8x2560xf32, #tpu.memory_space<vmem>>) dst(%dma_wait3A_217 : memref<8x2560xf32, #tpu.memory_space<hbm>>)
      } else {
      }
      %lt3A_90 = arith.constant 64 : i32
      %lt3A_91 = arith.cmpi slt, %sub3A_84, %lt3A_90 : i32
      %convert_element_type3A_92 = arith.extui %lt3A_91 : i1 to i32
      %cond3A_93 = arith.constant 0 : i32
      %cond3A_94 = arith.cmpi ne, %convert_element_type3A_92, %cond3A_93 : i32
      scf.if %cond3A_94 {
        %mul3A_212 = arith.constant 8 : i32
        %mul3A_213 = arith.muli %sub3A_84, %mul3A_212 : i32
        %dma_start3A_214 = tpu.memref_slice %arg5[%mul3A_213] : memref<512xi32, #tpu.memory_space<vmem>> -> memref<8xi32, #tpu.memory_space<vmem>>
        %dma_start3A_215 = arith.constant 0 : i32
        %dma_start3A_216 = arith.constant 0 : i32
        %dma_start3A_217 = tpu.memref_slice %arg2[%dma_start3A_215, %dma_start3A_216] : memref<151936x2560xf32, #tpu.memory_space<hbm>> -> memref<151936x2560xf32, #tpu.memory_space<hbm>>
        tpu.enqueue_indirect_dma source(%dma_start3A_217 : memref<151936x2560xf32, #tpu.memory_space<hbm>>) target(%arg9 : memref<8x2560xf32, #tpu.memory_space<vmem>>) offsets(%dma_start3A_214 : memref<8xi32, #tpu.memory_space<vmem>>) semaphore(%arg13 : memref<!tpu.dma_semaphore, #tpu.memory_space<semaphore_mem>>)
      } else {
      }
      %mul3A_95 = arith.constant 8 : i32
      %mul3A_96 = arith.muli %add3A_80, %mul3A_95 : i32
      %dma_wait3A_97 = tpu.memref_slice %arg5[%mul3A_96] : memref<512xi32, #tpu.memory_space<vmem>> -> memref<8xi32, #tpu.memory_space<vmem>>
      %dma_wait3A_98 = arith.constant 0 : i32
      %dma_wait3A_99 = arith.constant 0 : i32
      %dma_wait3A_100 = tpu.memref_slice %arg2[%dma_wait3A_98, %dma_wait3A_99] : memref<151936x2560xf32, #tpu.memory_space<hbm>> -> memref<151936x2560xf32, #tpu.memory_space<hbm>>
      tpu.wait_indirect_dma semaphore(%arg10 : memref<!tpu.dma_semaphore, #tpu.memory_space<semaphore_mem>>) src(%dma_wait3A_100 : memref<151936x2560xf32, #tpu.memory_space<hbm>>) dst(%arg6 : memref<8x2560xf32, #tpu.memory_space<vmem>>)
      %mul3A_101 = arith.constant 8 : i32
      %mul3A_102 = arith.muli %add3A_80, %mul3A_101 : i32
      %add3A_103 = arith.addi %mul3A_32, %mul3A_102 : i32
      %dma_start3A_104 = arith.constant 0 : i32
      %dma_start3A_105 = tpu.memref_slice %arg4[%select_n3A, %add3A_103, %dma_start3A_104] : memref<4x4096x2560xf32, #tpu.memory_space<hbm>> -> memref<1x8x2560xf32, #tpu.memory_space<hbm>>
      %dma_start3A_106 = tpu.memref_squeeze %dma_start3A_105 : memref<1x8x2560xf32, #tpu.memory_space<hbm>> -> memref<8x2560xf32, #tpu.memory_space<hbm>>
      %dma_start3A_107 = arith.constant 0 : i32
      %dma_start3A_108 = tpu.memref_slice %arg4[%select_n3A, %add3A_103, %dma_start3A_107] : memref<4x4096x2560xf32, #tpu.memory_space<hbm>> -> memref<1x8x2560xf32, #tpu.memory_space<hbm>>
      %dma_start3A_109 = tpu.memref_squeeze %dma_start3A_108 : memref<1x8x2560xf32, #tpu.memory_space<hbm>> -> memref<8x2560xf32, #tpu.memory_space<hbm>>
      tpu.enqueue_dma source(%arg6 : memref<8x2560xf32, #tpu.memory_space<vmem>>) target(%dma_start3A_109 : memref<8x2560xf32, #tpu.memory_space<hbm>>) target_semaphore(%arg14 : memref<!tpu.dma_semaphore, #tpu.memory_space<semaphore_mem>>)
      %add3A_110 = arith.constant 1 : i32
      %add3A_111 = arith.addi %add3A_78, %add3A_110 : i32
      %add3A_112 = arith.constant 4 : i32
      %add3A_113 = arith.addi %add3A_111, %add3A_112 : i32
      %sub3A_114 = arith.constant 1 : i32
      %sub3A_115 = arith.subi %add3A_113, %sub3A_114 : i32
      %ge3A_116 = arith.constant 1 : i32
      %ge3A_117 = arith.cmpi sge, %add3A_111, %ge3A_116 : i32
      %lt3A_118 = arith.constant 64 : i32
      %lt3A_119 = arith.cmpi slt, %sub3A_115, %lt3A_118 : i32
      %and3A_120 = arith.andi %ge3A_117, %lt3A_119 : i1
      %convert_element_type3A_121 = arith.extui %and3A_120 : i1 to i32
      %cond3A_122 = arith.constant 0 : i32
      %cond3A_123 = arith.cmpi ne, %convert_element_type3A_121, %cond3A_122 : i32
      scf.if %cond3A_123 {
        %dma_wait3A_212 = arith.constant 0 : i32
        %dma_wait3A_213 = tpu.memref_slice %arg4[%select_n3A, %mul3A_32, %dma_wait3A_212] : memref<4x4096x2560xf32, #tpu.memory_space<hbm>> -> memref<1x8x2560xf32, #tpu.memory_space<hbm>>
        %dma_wait3A_214 = tpu.memref_squeeze %dma_wait3A_213 : memref<1x8x2560xf32, #tpu.memory_space<hbm>> -> memref<8x2560xf32, #tpu.memory_space<hbm>>
        %dma_wait3A_215 = arith.constant 0 : i32
        %dma_wait3A_216 = tpu.memref_slice %arg4[%select_n3A, %mul3A_32, %dma_wait3A_215] : memref<4x4096x2560xf32, #tpu.memory_space<hbm>> -> memref<1x8x2560xf32, #tpu.memory_space<hbm>>
        %dma_wait3A_217 = tpu.memref_squeeze %dma_wait3A_216 : memref<1x8x2560xf32, #tpu.memory_space<hbm>> -> memref<8x2560xf32, #tpu.memory_space<hbm>>
        tpu.wait_dma2 semaphore(%arg14 : memref<!tpu.dma_semaphore, #tpu.memory_space<semaphore_mem>>) src(%arg6 : memref<8x2560xf32, #tpu.memory_space<vmem>>) dst(%dma_wait3A_217 : memref<8x2560xf32, #tpu.memory_space<hbm>>)
      } else {
      }
      %lt3A_124 = arith.constant 64 : i32
      %lt3A_125 = arith.cmpi slt, %sub3A_115, %lt3A_124 : i32
      %convert_element_type3A_126 = arith.extui %lt3A_125 : i1 to i32
      %cond3A_127 = arith.constant 0 : i32
      %cond3A_128 = arith.cmpi ne, %convert_element_type3A_126, %cond3A_127 : i32
      scf.if %cond3A_128 {
        %mul3A_212 = arith.constant 8 : i32
        %mul3A_213 = arith.muli %sub3A_115, %mul3A_212 : i32
        %dma_start3A_214 = tpu.memref_slice %arg5[%mul3A_213] : memref<512xi32, #tpu.memory_space<vmem>> -> memref<8xi32, #tpu.memory_space<vmem>>
        %dma_start3A_215 = arith.constant 0 : i32
        %dma_start3A_216 = arith.constant 0 : i32
        %dma_start3A_217 = tpu.memref_slice %arg2[%dma_start3A_215, %dma_start3A_216] : memref<151936x2560xf32, #tpu.memory_space<hbm>> -> memref<151936x2560xf32, #tpu.memory_space<hbm>>
        tpu.enqueue_indirect_dma source(%dma_start3A_217 : memref<151936x2560xf32, #tpu.memory_space<hbm>>) target(%arg6 : memref<8x2560xf32, #tpu.memory_space<vmem>>) offsets(%dma_start3A_214 : memref<8xi32, #tpu.memory_space<vmem>>) semaphore(%arg10 : memref<!tpu.dma_semaphore, #tpu.memory_space<semaphore_mem>>)
      } else {
      }
      %mul3A_129 = arith.constant 8 : i32
      %mul3A_130 = arith.muli %add3A_111, %mul3A_129 : i32
      %dma_wait3A_131 = tpu.memref_slice %arg5[%mul3A_130] : memref<512xi32, #tpu.memory_space<vmem>> -> memref<8xi32, #tpu.memory_space<vmem>>
      %dma_wait3A_132 = arith.constant 0 : i32
      %dma_wait3A_133 = arith.constant 0 : i32
      %dma_wait3A_134 = tpu.memref_slice %arg2[%dma_wait3A_132, %dma_wait3A_133] : memref<151936x2560xf32, #tpu.memory_space<hbm>> -> memref<151936x2560xf32, #tpu.memory_space<hbm>>
      tpu.wait_indirect_dma semaphore(%arg11 : memref<!tpu.dma_semaphore, #tpu.memory_space<semaphore_mem>>) src(%dma_wait3A_134 : memref<151936x2560xf32, #tpu.memory_space<hbm>>) dst(%arg7 : memref<8x2560xf32, #tpu.memory_space<vmem>>)
      %mul3A_135 = arith.constant 8 : i32
      %mul3A_136 = arith.muli %add3A_111, %mul3A_135 : i32
      %add3A_137 = arith.addi %mul3A_32, %mul3A_136 : i32
      %dma_start3A_138 = arith.constant 0 : i32
      %dma_start3A_139 = tpu.memref_slice %arg4[%select_n3A, %add3A_137, %dma_start3A_138] : memref<4x4096x2560xf32, #tpu.memory_space<hbm>> -> memref<1x8x2560xf32, #tpu.memory_space<hbm>>
      %dma_start3A_140 = tpu.memref_squeeze %dma_start3A_139 : memref<1x8x2560xf32, #tpu.memory_space<hbm>> -> memref<8x2560xf32, #tpu.memory_space<hbm>>
      %dma_start3A_141 = arith.constant 0 : i32
      %dma_start3A_142 = tpu.memref_slice %arg4[%select_n3A, %add3A_137, %dma_start3A_141] : memref<4x4096x2560xf32, #tpu.memory_space<hbm>> -> memref<1x8x2560xf32, #tpu.memory_space<hbm>>
      %dma_start3A_143 = tpu.memref_squeeze %dma_start3A_142 : memref<1x8x2560xf32, #tpu.memory_space<hbm>> -> memref<8x2560xf32, #tpu.memory_space<hbm>>
      tpu.enqueue_dma source(%arg7 : memref<8x2560xf32, #tpu.memory_space<vmem>>) target(%dma_start3A_143 : memref<8x2560xf32, #tpu.memory_space<hbm>>) target_semaphore(%arg15 : memref<!tpu.dma_semaphore, #tpu.memory_space<semaphore_mem>>)
      %add3A_144 = arith.constant 2 : i32
      %add3A_145 = arith.addi %add3A_78, %add3A_144 : i32
      %add3A_146 = arith.constant 4 : i32
      %add3A_147 = arith.addi %add3A_145, %add3A_146 : i32
      %sub3A_148 = arith.constant 1 : i32
      %sub3A_149 = arith.subi %add3A_147, %sub3A_148 : i32
      %ge3A_150 = arith.constant 1 : i32
      %ge3A_151 = arith.cmpi sge, %add3A_145, %ge3A_150 : i32
      %lt3A_152 = arith.constant 64 : i32
      %lt3A_153 = arith.cmpi slt, %sub3A_149, %lt3A_152 : i32
      %and3A_154 = arith.andi %ge3A_151, %lt3A_153 : i1
      %convert_element_type3A_155 = arith.extui %and3A_154 : i1 to i32
      %cond3A_156 = arith.constant 0 : i32
      %cond3A_157 = arith.cmpi ne, %convert_element_type3A_155, %cond3A_156 : i32
      scf.if %cond3A_157 {
        %dma_wait3A_212 = arith.constant 0 : i32
        %dma_wait3A_213 = tpu.memref_slice %arg4[%select_n3A, %mul3A_32, %dma_wait3A_212] : memref<4x4096x2560xf32, #tpu.memory_space<hbm>> -> memref<1x8x2560xf32, #tpu.memory_space<hbm>>
        %dma_wait3A_214 = tpu.memref_squeeze %dma_wait3A_213 : memref<1x8x2560xf32, #tpu.memory_space<hbm>> -> memref<8x2560xf32, #tpu.memory_space<hbm>>
        %dma_wait3A_215 = arith.constant 0 : i32
        %dma_wait3A_216 = tpu.memref_slice %arg4[%select_n3A, %mul3A_32, %dma_wait3A_215] : memref<4x4096x2560xf32, #tpu.memory_space<hbm>> -> memref<1x8x2560xf32, #tpu.memory_space<hbm>>
        %dma_wait3A_217 = tpu.memref_squeeze %dma_wait3A_216 : memref<1x8x2560xf32, #tpu.memory_space<hbm>> -> memref<8x2560xf32, #tpu.memory_space<hbm>>
        tpu.wait_dma2 semaphore(%arg15 : memref<!tpu.dma_semaphore, #tpu.memory_space<semaphore_mem>>) src(%arg7 : memref<8x2560xf32, #tpu.memory_space<vmem>>) dst(%dma_wait3A_217 : memref<8x2560xf32, #tpu.memory_space<hbm>>)
      } else {
      }
      %lt3A_158 = arith.constant 64 : i32
      %lt3A_159 = arith.cmpi slt, %sub3A_149, %lt3A_158 : i32
      %convert_element_type3A_160 = arith.extui %lt3A_159 : i1 to i32
      %cond3A_161 = arith.constant 0 : i32
      %cond3A_162 = arith.cmpi ne, %convert_element_type3A_160, %cond3A_161 : i32
      scf.if %cond3A_162 {
        %mul3A_212 = arith.constant 8 : i32
        %mul3A_213 = arith.muli %sub3A_149, %mul3A_212 : i32
        %dma_start3A_214 = tpu.memref_slice %arg5[%mul3A_213] : memref<512xi32, #tpu.memory_space<vmem>> -> memref<8xi32, #tpu.memory_space<vmem>>
        %dma_start3A_215 = arith.constant 0 : i32
        %dma_start3A_216 = arith.constant 0 : i32
        %dma_start3A_217 = tpu.memref_slice %arg2[%dma_start3A_215, %dma_start3A_216] : memref<151936x2560xf32, #tpu.memory_space<hbm>> -> memref<151936x2560xf32, #tpu.memory_space<hbm>>
        tpu.enqueue_indirect_dma source(%dma_start3A_217 : memref<151936x2560xf32, #tpu.memory_space<hbm>>) target(%arg7 : memref<8x2560xf32, #tpu.memory_space<vmem>>) offsets(%dma_start3A_214 : memref<8xi32, #tpu.memory_space<vmem>>) semaphore(%arg11 : memref<!tpu.dma_semaphore, #tpu.memory_space<semaphore_mem>>)
      } else {
      }
      %mul3A_163 = arith.constant 8 : i32
      %mul3A_164 = arith.muli %add3A_145, %mul3A_163 : i32
      %dma_wait3A_165 = tpu.memref_slice %arg5[%mul3A_164] : memref<512xi32, #tpu.memory_space<vmem>> -> memref<8xi32, #tpu.memory_space<vmem>>
      %dma_wait3A_166 = arith.constant 0 : i32
      %dma_wait3A_167 = arith.constant 0 : i32
      %dma_wait3A_168 = tpu.memref_slice %arg2[%dma_wait3A_166, %dma_wait3A_167] : memref<151936x2560xf32, #tpu.memory_space<hbm>> -> memref<151936x2560xf32, #tpu.memory_space<hbm>>
      tpu.wait_indirect_dma semaphore(%arg12 : memref<!tpu.dma_semaphore, #tpu.memory_space<semaphore_mem>>) src(%dma_wait3A_168 : memref<151936x2560xf32, #tpu.memory_space<hbm>>) dst(%arg8 : memref<8x2560xf32, #tpu.memory_space<vmem>>)
      %mul3A_169 = arith.constant 8 : i32
      %mul3A_170 = arith.muli %add3A_145, %mul3A_169 : i32
      %add3A_171 = arith.addi %mul3A_32, %mul3A_170 : i32
      %dma_start3A_172 = arith.constant 0 : i32
      %dma_start3A_173 = tpu.memref_slice %arg4[%select_n3A, %add3A_171, %dma_start3A_172] : memref<4x4096x2560xf32, #tpu.memory_space<hbm>> -> memref<1x8x2560xf32, #tpu.memory_space<hbm>>
      %dma_start3A_174 = tpu.memref_squeeze %dma_start3A_173 : memref<1x8x2560xf32, #tpu.memory_space<hbm>> -> memref<8x2560xf32, #tpu.memory_space<hbm>>
      %dma_start3A_175 = arith.constant 0 : i32
      %dma_start3A_176 = tpu.memref_slice %arg4[%select_n3A, %add3A_171, %dma_start3A_175] : memref<4x4096x2560xf32, #tpu.memory_space<hbm>> -> memref<1x8x2560xf32, #tpu.memory_space<hbm>>
      %dma_start3A_177 = tpu.memref_squeeze %dma_start3A_176 : memref<1x8x2560xf32, #tpu.memory_space<hbm>> -> memref<8x2560xf32, #tpu.memory_space<hbm>>
      tpu.enqueue_dma source(%arg8 : memref<8x2560xf32, #tpu.memory_space<vmem>>) target(%dma_start3A_177 : memref<8x2560xf32, #tpu.memory_space<hbm>>) target_semaphore(%arg16 : memref<!tpu.dma_semaphore, #tpu.memory_space<semaphore_mem>>)
      %add3A_178 = arith.constant 3 : i32
      %add3A_179 = arith.addi %add3A_78, %add3A_178 : i32
      %add3A_180 = arith.constant 4 : i32
      %add3A_181 = arith.addi %add3A_179, %add3A_180 : i32
      %sub3A_182 = arith.constant 1 : i32
      %sub3A_183 = arith.subi %add3A_181, %sub3A_182 : i32
      %ge3A_184 = arith.constant 1 : i32
      %ge3A_185 = arith.cmpi sge, %add3A_179, %ge3A_184 : i32
      %lt3A_186 = arith.constant 64 : i32
      %lt3A_187 = arith.cmpi slt, %sub3A_183, %lt3A_186 : i32
      %and3A_188 = arith.andi %ge3A_185, %lt3A_187 : i1
      %convert_element_type3A_189 = arith.extui %and3A_188 : i1 to i32
      %cond3A_190 = arith.constant 0 : i32
      %cond3A_191 = arith.cmpi ne, %convert_element_type3A_189, %cond3A_190 : i32
      scf.if %cond3A_191 {
        %dma_wait3A_212 = arith.constant 0 : i32
        %dma_wait3A_213 = tpu.memref_slice %arg4[%select_n3A, %mul3A_32, %dma_wait3A_212] : memref<4x4096x2560xf32, #tpu.memory_space<hbm>> -> memref<1x8x2560xf32, #tpu.memory_space<hbm>>
        %dma_wait3A_214 = tpu.memref_squeeze %dma_wait3A_213 : memref<1x8x2560xf32, #tpu.memory_space<hbm>> -> memref<8x2560xf32, #tpu.memory_space<hbm>>
        %dma_wait3A_215 = arith.constant 0 : i32
        %dma_wait3A_216 = tpu.memref_slice %arg4[%select_n3A, %mul3A_32, %dma_wait3A_215] : memref<4x4096x2560xf32, #tpu.memory_space<hbm>> -> memref<1x8x2560xf32, #tpu.memory_space<hbm>>
        %dma_wait3A_217 = tpu.memref_squeeze %dma_wait3A_216 : memref<1x8x2560xf32, #tpu.memory_space<hbm>> -> memref<8x2560xf32, #tpu.memory_space<hbm>>
        tpu.wait_dma2 semaphore(%arg16 : memref<!tpu.dma_semaphore, #tpu.memory_space<semaphore_mem>>) src(%arg8 : memref<8x2560xf32, #tpu.memory_space<vmem>>) dst(%dma_wait3A_217 : memref<8x2560xf32, #tpu.memory_space<hbm>>)
      } else {
      }
      %lt3A_192 = arith.constant 64 : i32
      %lt3A_193 = arith.cmpi slt, %sub3A_183, %lt3A_192 : i32
      %convert_element_type3A_194 = arith.extui %lt3A_193 : i1 to i32
      %cond3A_195 = arith.constant 0 : i32
      %cond3A_196 = arith.cmpi ne, %convert_element_type3A_194, %cond3A_195 : i32
      scf.if %cond3A_196 {
        %mul3A_212 = arith.constant 8 : i32
        %mul3A_213 = arith.muli %sub3A_183, %mul3A_212 : i32
        %dma_start3A_214 = tpu.memref_slice %arg5[%mul3A_213] : memref<512xi32, #tpu.memory_space<vmem>> -> memref<8xi32, #tpu.memory_space<vmem>>
        %dma_start3A_215 = arith.constant 0 : i32
        %dma_start3A_216 = arith.constant 0 : i32
        %dma_start3A_217 = tpu.memref_slice %arg2[%dma_start3A_215, %dma_start3A_216] : memref<151936x2560xf32, #tpu.memory_space<hbm>> -> memref<151936x2560xf32, #tpu.memory_space<hbm>>
        tpu.enqueue_indirect_dma source(%dma_start3A_217 : memref<151936x2560xf32, #tpu.memory_space<hbm>>) target(%arg8 : memref<8x2560xf32, #tpu.memory_space<vmem>>) offsets(%dma_start3A_214 : memref<8xi32, #tpu.memory_space<vmem>>) semaphore(%arg12 : memref<!tpu.dma_semaphore, #tpu.memory_space<semaphore_mem>>)
      } else {
      }
      %mul3A_197 = arith.constant 8 : i32
      %mul3A_198 = arith.muli %add3A_179, %mul3A_197 : i32
      %dma_wait3A_199 = tpu.memref_slice %arg5[%mul3A_198] : memref<512xi32, #tpu.memory_space<vmem>> -> memref<8xi32, #tpu.memory_space<vmem>>
      %dma_wait3A_200 = arith.constant 0 : i32
      %dma_wait3A_201 = arith.constant 0 : i32
      %dma_wait3A_202 = tpu.memref_slice %arg2[%dma_wait3A_200, %dma_wait3A_201] : memref<151936x2560xf32, #tpu.memory_space<hbm>> -> memref<151936x2560xf32, #tpu.memory_space<hbm>>
      tpu.wait_indirect_dma semaphore(%arg13 : memref<!tpu.dma_semaphore, #tpu.memory_space<semaphore_mem>>) src(%dma_wait3A_202 : memref<151936x2560xf32, #tpu.memory_space<hbm>>) dst(%arg9 : memref<8x2560xf32, #tpu.memory_space<vmem>>)
      %mul3A_203 = arith.constant 8 : i32
      %mul3A_204 = arith.muli %add3A_179, %mul3A_203 : i32
      %add3A_205 = arith.addi %mul3A_32, %mul3A_204 : i32
      %dma_start3A_206 = arith.constant 0 : i32
      %dma_start3A_207 = tpu.memref_slice %arg4[%select_n3A, %add3A_205, %dma_start3A_206] : memref<4x4096x2560xf32, #tpu.memory_space<hbm>> -> memref<1x8x2560xf32, #tpu.memory_space<hbm>>
      %dma_start3A_208 = tpu.memref_squeeze %dma_start3A_207 : memref<1x8x2560xf32, #tpu.memory_space<hbm>> -> memref<8x2560xf32, #tpu.memory_space<hbm>>
      %dma_start3A_209 = arith.constant 0 : i32
      %dma_start3A_210 = tpu.memref_slice %arg4[%select_n3A, %add3A_205, %dma_start3A_209] : memref<4x4096x2560xf32, #tpu.memory_space<hbm>> -> memref<1x8x2560xf32, #tpu.memory_space<hbm>>
      %dma_start3A_211 = tpu.memref_squeeze %dma_start3A_210 : memref<1x8x2560xf32, #tpu.memory_space<hbm>> -> memref<8x2560xf32, #tpu.memory_space<hbm>>
      tpu.enqueue_dma source(%arg9 : memref<8x2560xf32, #tpu.memory_space<vmem>>) target(%dma_start3A_211 : memref<8x2560xf32, #tpu.memory_space<hbm>>) target_semaphore(%arg17 : memref<!tpu.dma_semaphore, #tpu.memory_space<semaphore_mem>>)
    }
    %scan3A_50 = arith.constant 16 : i32
    %dma_wait3A = arith.constant 0 : i32
    %dma_wait3A_51 = tpu.memref_slice %arg4[%select_n3A, %mul3A_32, %dma_wait3A] : memref<4x4096x2560xf32, #tpu.memory_space<hbm>> -> memref<1x8x2560xf32, #tpu.memory_space<hbm>>
    %dma_wait3A_52 = tpu.memref_squeeze %dma_wait3A_51 : memref<1x8x2560xf32, #tpu.memory_space<hbm>> -> memref<8x2560xf32, #tpu.memory_space<hbm>>
    %dma_wait3A_53 = arith.constant 0 : i32
    %dma_wait3A_54 = tpu.memref_slice %arg4[%select_n3A, %mul3A_32, %dma_wait3A_53] : memref<4x4096x2560xf32, #tpu.memory_space<hbm>> -> memref<1x8x2560xf32, #tpu.memory_space<hbm>>
    %dma_wait3A_55 = tpu.memref_squeeze %dma_wait3A_54 : memref<1x8x2560xf32, #tpu.memory_space<hbm>> -> memref<8x2560xf32, #tpu.memory_space<hbm>>
    tpu.wait_dma2 semaphore(%arg14 : memref<!tpu.dma_semaphore, #tpu.memory_space<semaphore_mem>>) src(%arg6 : memref<8x2560xf32, #tpu.memory_space<vmem>>) dst(%dma_wait3A_55 : memref<8x2560xf32, #tpu.memory_space<hbm>>)
    %dma_wait3A_56 = arith.constant 0 : i32
    %dma_wait3A_57 = tpu.memref_slice %arg4[%select_n3A, %mul3A_32, %dma_wait3A_56] : memref<4x4096x2560xf32, #tpu.memory_space<hbm>> -> memref<1x8x2560xf32, #tpu.memory_space<hbm>>
    %dma_wait3A_58 = tpu.memref_squeeze %dma_wait3A_57 : memref<1x8x2560xf32, #tpu.memory_space<hbm>> -> memref<8x2560xf32, #tpu.memory_space<hbm>>
    %dma_wait3A_59 = arith.constant 0 : i32
    %dma_wait3A_60 = tpu.memref_slice %arg4[%select_n3A, %mul3A_32, %dma_wait3A_59] : memref<4x4096x2560xf32, #tpu.memory_space<hbm>> -> memref<1x8x2560xf32, #tpu.memory_space<hbm>>
    %dma_wait3A_61 = tpu.memref_squeeze %dma_wait3A_60 : memref<1x8x2560xf32, #tpu.memory_space<hbm>> -> memref<8x2560xf32, #tpu.memory_space<hbm>>
    tpu.wait_dma2 semaphore(%arg15 : memref<!tpu.dma_semaphore, #tpu.memory_space<semaphore_mem>>) src(%arg7 : memref<8x2560xf32, #tpu.memory_space<vmem>>) dst(%dma_wait3A_61 : memref<8x2560xf32, #tpu.memory_space<hbm>>)
    %dma_wait3A_62 = arith.constant 0 : i32
    %dma_wait3A_63 = tpu.memref_slice %arg4[%select_n3A, %mul3A_32, %dma_wait3A_62] : memref<4x4096x2560xf32, #tpu.memory_space<hbm>> -> memref<1x8x2560xf32, #tpu.memory_space<hbm>>
    %dma_wait3A_64 = tpu.memref_squeeze %dma_wait3A_63 : memref<1x8x2560xf32, #tpu.memory_space<hbm>> -> memref<8x2560xf32, #tpu.memory_space<hbm>>
    %dma_wait3A_65 = arith.constant 0 : i32
    %dma_wait3A_66 = tpu.memref_slice %arg4[%select_n3A, %mul3A_32, %dma_wait3A_65] : memref<4x4096x2560xf32, #tpu.memory_space<hbm>> -> memref<1x8x2560xf32, #tpu.memory_space<hbm>>
    %dma_wait3A_67 = tpu.memref_squeeze %dma_wait3A_66 : memref<1x8x2560xf32, #tpu.memory_space<hbm>> -> memref<8x2560xf32, #tpu.memory_space<hbm>>
    tpu.wait_dma2 semaphore(%arg16 : memref<!tpu.dma_semaphore, #tpu.memory_space<semaphore_mem>>) src(%arg8 : memref<8x2560xf32, #tpu.memory_space<vmem>>) dst(%dma_wait3A_67 : memref<8x2560xf32, #tpu.memory_space<hbm>>)
    %dma_wait3A_68 = arith.constant 0 : i32
    %dma_wait3A_69 = tpu.memref_slice %arg4[%select_n3A, %mul3A_32, %dma_wait3A_68] : memref<4x4096x2560xf32, #tpu.memory_space<hbm>> -> memref<1x8x2560xf32, #tpu.memory_space<hbm>>
    %dma_wait3A_70 = tpu.memref_squeeze %dma_wait3A_69 : memref<1x8x2560xf32, #tpu.memory_space<hbm>> -> memref<8x2560xf32, #tpu.memory_space<hbm>>
    %dma_wait3A_71 = arith.constant 0 : i32
    %dma_wait3A_72 = tpu.memref_slice %arg4[%select_n3A, %mul3A_32, %dma_wait3A_71] : memref<4x4096x2560xf32, #tpu.memory_space<hbm>> -> memref<1x8x2560xf32, #tpu.memory_space<hbm>>
    %dma_wait3A_73 = tpu.memref_squeeze %dma_wait3A_72 : memref<1x8x2560xf32, #tpu.memory_space<hbm>> -> memref<8x2560xf32, #tpu.memory_space<hbm>>
    tpu.wait_dma2 semaphore(%arg17 : memref<!tpu.dma_semaphore, #tpu.memory_space<semaphore_mem>>) src(%arg9 : memref<8x2560xf32, #tpu.memory_space<vmem>>) dst(%dma_wait3A_73 : memref<8x2560xf32, #tpu.memory_space<hbm>>)
    return
  }
}

</mosaic_0001>

<sc_bundles>
// kernel: kernel.3.cloned.1.call-start
scs
__scs_entry_jumppad:
0x0: {  	(pc) =	sbr.rel $0x88, $3  }
0x1: {  	(tag) =	ssettag $0x0;
	lr =	simm.s32 $0x1  }
0x2: {  	[smem:$0x3F9F] =	sst lr;
	_ =	strace $0xD0000000  }
0x3: {  	_ = 	snop  }
0x4: {  	_ = 	snop  }
0x5: {  	_ = 	snop  }
0x6: {  	_ = 	snop  }
0x7: {  	_ = 	snop  }
__scs_overlays_trampoline_lowered:
0x8: {  	[smem:$0x3FAE] =	sst s0  }
0x9: {  	[smem:$0x3FAF] =	sst s1  }
0xa: {  	[smem:$0x3FB0] =	sst s2  }
0xb: {  	[smem:$0x3FB1] =	sst s3  }
0xc: {  	[smem:$0x3FB2] =	sst s4  }
0xd: {  	[smem:$0x3FB3] =	sst s5  }
0xe: {  	[smem:$0x3FB4] =	sst s6  }
0xf: {  	[smem:$0x3FB5] =	sst s7  }
0x10: {  	[smem:$0x3FB6] =	sst s8  }
0x11: {  	[smem:$0x3FB7] =	sst s9;
	s0 =	simm.s32 @!p0 $0x0  }
0x12: {  	s1 =	sld [smem:$0x3F9D];
	s0 =	simm.s32 @p0 $0x1  }
0x13: {  	[smem:$0x3FB8] =	sst s0;
	s0 =	simm.s32 @!p1 $0x0  }
0x14: {  	s2 =	sld [smem:$0x3F9C];
	s0 =	simm.s32 @p1 $0x1  }
0x15: {  	[smem:$0x3FB9] =	sst s0;
	s0 =	simm.s32 @!p2 $0x0  }
0x16: {  	s3 =	sld [smem:$0x3FDB];
	s0 =	simm.s32 @p2 $0x1  }
0x17: {  	s4 =	simm.s32 $0x1BF5;
	[smem:$0x3FBB] =	sst s0  }
0x18: {  	s0 =	sld [smem:$0x3F9E];
	_ =	swait.ge [sflag:s4], $0x0  }
0x19: {  	s7 =	sld [smem:$0x3F9F]  }
0x1a: {  	s8 =	sadd.s32 $0xFFFFE003, lr  }
0x1b: {  	s9 =	sadd.s32 $0xFFFFFEF7, lr;
	s5 =	simm.s32 $0xFFFFFFFF;
	p2 =	slt.u32 s8, $0xFFFFF086  }
0x1c: {  	p1 =	slt.u32 s9, $0xF7A;
	s5 =	simm.s32 @!p2 $0x0  }
0x1d: {  	s5 =	simm.s32 @p1 $0x1;
	p0 =	seq.s32 s7, s2  }
0x1e: {  	s7 =	smul.u32 @!p0 $0xF7A, s2;
	p2 =	seq.s32 @!p0 s5, $0x0  }
0x1f: {  	s9 =	smul.u32 $0xF7A, s1;
	s8 =	simm.s32 @!p0 $0x1BF5;
	p2 =	por !p2, p0  }
0x20: {  	[sflag:s8] =	ssyncset.s32 @!p0 $0xFFFFF086;
	s6 =	sadd.s32 @!p0 s3, s7;
	s7 =	simm.s32 @!p0 $0x108  }
0x21: {  	s3 =	sadd.s32 s3, s9;
	s6 =	sadd.s32 @!p0 $0x88, s6;
	s7 =	simm.s32 @p2 $0x1082  }
0x22: {  	[simem:s7], [sflag:s8] =	dma.local @!p0 [hbm:s6], $0xF7A  }
0x23: {  	s9 =	sor.u32 $0xD0000000, s2;
	s6 =	simm.s32 $0x108;
	_ =	swait.ge @!p0 [sflag:s8], $0x0  }
0x24: {  	s3 =	sadd.s32 $0x88, s3;
	s6 =	simm.s32 @!p1 $0x1082;
	[sflag:s4] =	ssyncset.s32 $0xFFFFF086  }
0x25: {  	[simem:s6], [sflag:s4] =	dma.local [hbm:s3], $0xF7A  }
0x26: {  	[smem:$0x3F9F] =	sst s1;
	(tag) =	ssettag s2;
	_ =	strace s9  }
0x27: {  	s1 =	sld [smem:$0x3FAF]  }
0x28: {  	s2 =	sld [smem:$0x3FB0]  }
0x29: {  	s4 =	sld [smem:$0x3FB2]  }
0x2a: {  	p0 =	seq.s32 s5, $0x0;
	s5 =	sld [smem:$0x3FB3]  }
0x2b: {  	s6 =	sld [smem:$0x3FB4]  }
0x2c: {  	s7 =	sld [smem:$0x3FB5]  }
0x2d: {  	s3 =	simm.s32 $0x108;
	s8 =	sld [smem:$0x3FB6]  }
0x2e: {  	s3 =	simm.s32 @!p0 $0x1082;
	s9 =	sld [smem:$0x3FB7]  }
0x2f: {  	lr =	sadd.s32 s0, s3;
	s0 =	sld [smem:$0x3FAE]  }
0x30: {  	s3 =	sld [smem:$0x3FB1]  }
0x31: {  	[smem:$0x3FBA] =	sst s10  }
0x32: {  	s10 =	sld [smem:$0x3FB8];
	_ =	sdelay $0x3  }
0x33: {  	p0 =	seq.s32 s10, $0x1;
	s10 =	sld [smem:$0x3FBA];
	_ =	sdelay $0x3  }
0x34: {  	[smem:$0x3FBA] =	sst s10  }
0x35: {  	s10 =	sld [smem:$0x3FB9];
	_ =	sdelay $0x3  }
0x36: {  	p1 =	seq.s32 s10, $0x1;
	s10 =	sld [smem:$0x3FBA];
	_ =	sdelay $0x3  }
0x37: {  	[smem:$0x3FBA] =	sst s10  }
0x38: {  	s10 =	sld [smem:$0x3FBB]  }
0x39: {  	_ = 	snop;
	(pc) =	sbr.ind lr, $3  }
0x3a: {  	_ = 	snop  }
0x3b: {  	_ = 	snop  }
0x3c: {  	p2 =	seq.s32 s10, $0x1;
	s10 =	sld [smem:$0x3FBA]  }
0x3d: {  	_ =	shalt  }
0x3e: {  	_ =	shalt  }
0x3f: {  	_ =	shalt  }
0x40: {  	_ =	shalt  }
0x41: {  	_ =	shalt  }
0x42: {  	_ =	shalt  }
0x43: {  	_ =	shalt  }
0x44: {  	_ =	shalt  }
0x45: {  	_ =	shalt  }
0x46: {  	_ =	shalt  }
0x47: {  	_ =	shalt  }
0x48: {  	_ =	shalt  }
0x49: {  	_ =	shalt  }
0x4a: {  	_ =	shalt  }
0x4b: {  	_ =	shalt  }
0x4c: {  	_ =	shalt  }
0x4d: {  	_ =	shalt  }
0x4e: {  	_ =	shalt  }
0x4f: {  	_ =	shalt  }
0x50: {  	_ =	shalt  }
0x51: {  	_ =	shalt  }
0x52: {  	_ =	shalt  }
0x53: {  	_ =	shalt  }
0x54: {  	_ =	shalt  }
0x55: {  	_ =	shalt  }
0x56: {  	_ =	shalt  }
0x57: {  	_ =	shalt  }
0x58: {  	_ =	shalt  }
0x59: {  	_ =	shalt  }
0x5a: {  	_ =	shalt  }
0x5b: {  	_ =	shalt  }
0x5c: {  	_ =	shalt  }
0x5d: {  	_ =	shalt  }
0x5e: {  	_ =	shalt  }
0x5f: {  	_ =	shalt  }
0x60: {  	_ =	shalt  }
0x61: {  	_ =	shalt  }
0x62: {  	_ =	shalt  }
0x63: {  	_ =	shalt  }
0x64: {  	_ =	shalt  }
0x65: {  	_ =	shalt  }
0x66: {  	_ =	shalt  }
0x67: {  	_ =	shalt  }
0x68: {  	_ =	shalt  }
0x69: {  	_ =	shalt  }
0x6a: {  	_ =	shalt  }
0x6b: {  	_ =	shalt  }
0x6c: {  	_ =	shalt  }
0x6d: {  	_ =	shalt  }
0x6e: {  	_ =	shalt  }
0x6f: {  	_ =	shalt  }
0x70: {  	_ =	shalt  }
0x71: {  	_ =	shalt  }
0x72: {  	_ =	shalt  }
0x73: {  	_ =	shalt  }
0x74: {  	_ =	shalt  }
0x75: {  	_ =	shalt  }
0x76: {  	_ =	shalt  }
0x77: {  	_ =	shalt  }
0x78: {  	_ =	shalt  }
0x79: {  	_ =	shalt  }
0x7a: {  	_ =	shalt  }
0x7b: {  	_ =	shalt  }
0x7c: {  	_ =	shalt  }
0x7d: {  	_ =	shalt  }
0x7e: {  	_ =	shalt  }
0x7f: {  	_ =	shalt  }
0x80: {  	_ =	shalt  }
0x81: {  	_ =	shalt  }
0x82: {  	_ =	shalt  }
0x83: {  	_ =	shalt  }
0x84: {  	_ =	shalt  }
0x85: {  	_ =	shalt  }
0x86: {  	_ =	shalt  }
0x87: {  	_ =	shalt  }
.Lfunc_end0:
.L_simem_size_0:
called_computation_lowered:
.L_overlay_start_0:
0x88: {  	s2 =	sld [smem:$0x3FD9]  }
0x89: {  	s3 =	sld [smem:$0x3FFE];
	_ =	sdelay $0x1  }
0x8a: {  	s1 =	srdreg.scid  }
0x8b: {  	s0 =	sand.u32 $0x1, s1  }
0x8c: {  	s18 =	sshll.u32 s0, $0xA;
	s2 =	sadd.s32 s3, s2  }
0x8d: {  	s2 =	sadd.s32 s2, s18  }
0x8e: {  	[smem:$0x3FC6] =	sst s2  }
0x8f: {  	_ = 	snop  }
0x90: {  	s2 =	sld [smem:$0x3FC9]  }
0x91: {  	s19 =	sld [smem:$0x3FC8]  }
0x92: {  	s4 =	sld [smem:$0x3FD0];
	(tm) =	ssettm $0x1  }
0x93: {  	s5 =	sld [smem:$0x3FFB];
	_ =	sdelay $0x3  }
0x94: {  	_ =	strace s5  }
0x95: {  	s5 =	sld [smem:$0x3FFC];
	_ =	sdelay $0x3  }
0x96: {  	_ =	strace s5  }
0x97: {  	s5 =	sld [smem:$0x3FFD];
	_ =	sdelay $0x3  }
0x98: {  	_ =	strace s5  }
0x99: {  	_ =	strace $0x8FFFFFFF  }
0x9a: {  	s20 =	sld [smem:$0x3FDB];
	_ =	sdelay $0x1  }
0x9b: {  	s6 =	simm.s32 $_scs_section_size  }
0x9c: {  	s7 =	simm.s32 $_size__tile_overlayer_lowered;
	s8 =	simm.s32 $_tile_overlayer_lowered  }
0x9d: {  	s23 =	simm.s32 $0x1BFF;
	s22 =	sshll.u32 s8, $0x1;
	s5 =	sadd.s32 s6, s20  }
0x9e: {  	s9 =	simm.s32 $0x0;
	s21 =	sshll.u32 s7, $0x1;
	s7 =	sadd.s32 s22, s5  }
0x9f: {  	[timem:s9], [sflag:s23] =	dma.local [hbm:s7], s21  }
0xa0: {  	_ =	swait.ge [sflag:s23], s21  }
0xa1: {  	s6 =	ssub.s32 $0x0, s21;
	[sflag:s23] =	ssyncset.done $0x0  }
0xa2: {  	[sflag:s23] =	ssyncadd.s32 s6;
	_ =	sdelay $0x1  }
0xa3: {  	s24 =	simm.s32 $0x1B8B  }
0xa4: {  	_ =	swait.ge [sflag:s24], $0x1  }
0xa5: {  	[sflag:s24] =	ssyncset.done $0x0  }
0xa6: {  	s25 =	simm.s32 $0x1B8E;
	[sflag:s24] =	ssyncadd.s32 $0xFFFFFFFF  }
0xa7: {  	s26 =	simm.s32 $execute0_lowered;
	[smem:$0x3FD2] =	sst s25  }
0xa8: {  	s6 =	sshll.u32 s26, $0x1;
	_ =	strace $0x80000046;
	[dreg:$0x1] =	wrdreg $0xFFFFFFFF  }
0xa9: {  	s28 =	simm.s32 $_size_execute0_lowered;
	s5 =	sadd.s32 s5, s6;
	[dreg:$0x0] =	wrdreg $0x0  }
0xaa: {  	s6 =	sshll.u32 s28, $0x1;
	[dreg:$0x2] =	wrdreg s5  }
0xab: {  	[dreg:$0x3] =	wrdreg s6  }
0xac: {  	[dreg:$0x4] =	wrdreg $0xC0  }
0xad: {  	_ =	task [dreg:s9], $0x5FFFF  }
0xae: {  	[dreg:$0x1] =	wrdreg $0xFFFFFFFF  }
0xaf: {  	[dreg:$0x0] =	wrdreg $0x60  }
0xb0: {  	[dreg:$0x2] =	wrdreg s19  }
0xb1: {  	[dreg:$0x3] =	wrdreg s2  }
0xb2: {  	[dreg:$0x4] =	wrdreg s4  }
0xb3: {  	[dreg:$0x5] =	wrdreg $0x9  }
0xb4: {  	_ =	task.clear_ibuf [dreg:s9], $0x6FFFF;
	_ =	strace $0x90000046  }
0xb5: {  	s29 =	simm.s32 $0x9;
	_ =	strace $0x80000048  }
0xb6: {  	_ =	swait.ge [sflag:s29], $0x1  }
0xb7: {  	[sflag:s29] =	ssyncadd.s32 $0xFFFFFFFF  }
0xb8: {  	_ =	strace $0x90000048  }
0xb9: {  	_ =	sfence  }
0xba: {  	s30 =	sld [smem:$0x0];
	_ =	sdelay $0x2  }
0xbb: {  	s31 =	sshll.u32 s1, $0xD;
	s1 =	sshrl.u32 s1, $0x2  }
0xbc: {  	s3 =	sand.u32 $0x4000, s31;
	s1 =	sadd.s32 s1, s30  }
0xbd: {  	s0 =	sor.u32 s3, s0;
	s1 =	sshll.u32 s1, $0x11  }
0xbe: {  	s0 =	sor.u32 s1, s0  }
0xbf: {  	s0 =	sadd.s32 $0x8F2B, s0  }
0xc0: {  	[sflag:s0] =	ssyncadd.remote.s32 $0x1  }
0xc1: {  	_ =	sfence.sel $0xFFFF  }
0xc2: {  	[dreg:$0x0] =	wrdreg $0xFFFFFFFF;
	(pc) =	sbr.abs _section_cstart, $3  }
0xc3: {  	[dreg:$0x1] =	wrdreg $0xFFFFFFFF  }
0xc4: {  	_ =	task.clear_ibuf [dreg:s9], $0x2FFFF;
	_ =	strace $0x9FFFFFFF  }
0xc5: {  	(tm) =	ssettm $0x7FFFFFFF  }
tec
execute0_lowered:
.L_overlay_start_1:
0x0: {  	(tag) =	ssettag $0x1  }
0x1: {  	s1 =	rddreg [dreg:$0x0]  }
0x2: {  	s0 =	rddreg [dreg:$0x1]  }
0x3: {  	s2 =	rddreg [dreg:$0x2]  }
0x4: {  	s3 =	simm.s32 $0x0;
	s10 =	stileid.u32;
	s4 =	srdreg.scid  }
0x5: {  	s20 =	simm.s32 $0x200;
	s28 =	simm.s32 $0xF200;
	s21 =	simm.s32 $0x13200  }
0x6: {  	s22 =	simm.s32 $0x13A00;
	s23 =	simm.s32 $0x1;
	s29 =	simm.s32 $0x5  }
0x7: {  	s30 =	simm.s32 $0x6;
	s19 =	simm.s32 $0x0;
	[smem:$0x7FF] =	sst s3  }
0x8: {  	s5 =	sshll.u32 s10, $0x1;
	s4 =	sand.u32 $0x1, s4;
	s9 =	sshrl.u32 s10, $0x2  }
0x9: {  	s25 =	sand.u32 $0x3, s10;
	s5 =	sand.u32 $0x6, s5;
	s6 =	ssub.s32 $0x2, s4  }
0xa: {  	s7 =	sshll.u32 s9, $0x4;
	_ =	strace $0x80000047;
	s24 =	smul.u32 $0xA00000, s9  }
0xb: {  	s11 =	smul.u32 $0x280000, s25;
	s10 =	sshll.u32 s25, $0xA;
	s12 =	sshll.u32 s4, $0x9  }
0xc: {  	s9 =	sadd.s32 $0x500, s1;
	s25 =	simm.s32 $0x3;
	s5 =	sor.u32 s4, s5  }
0xd: {  	s8 =	sshrl.u32 s6, $0x1;
	s0 =	sadd.s32 s0, s7;
	s7 =	sadd.s32 $0x300, s1  }
0xe: {  	s4 =	smul.u32 $0x140000, s4;
	s12 =	sor.u32 s12, s10;
	s10 =	sadd.s32 $0x600, s1  }
0xf: {  	s5 =	sshll.u32 s5, $0x8;
	s14 =	ssub.s32 s6, s8;
	s6 =	sadd.s32 $0x200, s1  }
0x10: {  	s8 =	sadd.s32 $0x400, s1;
	s13 =	sadd.s32 s11, s24;
	s12 =	sshrl.u32 s12, $0x3  }
0x11: {  	s11 =	sadd.s32 $0x700, s1;
	s0 =	sadd.s32 s5, s0;
	s5 =	sadd.s32 $0x100, s1  }
0x12: {  	s4 =	sadd.s32 s4, s13;
	s15 =	smul.u32 $0x5000, s12;
	s12 =	sadd.s32 $0x800, s1  }
0x13: {  	s14 =	smax.u32 s14, $0x1;
	[dreg:$0x4] =	wrdreg s0;
	s4 =	sor.u32 $0xF000, s4  }
0x14: {  	s13 =	sadd.s32 $0x900, s1;
	[dreg:$0x5] =	wrdreg s14;
	s4 =	sshrl.u32 s4, $0x3  }
.Ltmp0:
0x15: {  	s0 =	sadd.s32 s15, s24;
	s24 =	simm.s32 $0x2;
	(pc) =	sbr.rel .LBB2_1-.Ltmp0, $4  }
0x16: {  	s15 =	sadd.s32 s4, s2;
	s26 =	sor.u32 $0x5000, s0;
	s31 =	sor.u32 $0xA000, s0  }
0x17: {  	v0 =	vlaneseq.u32;
	s0 =	sshrl.u32 s0, $0x3;
	s4 =	sshrl.u32 s26, $0x3;
	s14 =	sshrl.u32 s31, $0x3  }
0x18: {  	v1 =	vshrl.u32 v0, $0x3;
	s18 =	sadd.s32 s0, s2;
	s0 =	simm.s32 $0x5200;
	s26 =	simm.s32 $0x4  }
0x19: {  	vm0 =	vmmov $0xffff;
	v0 =	vand.u32 $0x7, v0;
	v1 =	vmul.u32 $0x8, v1;
	s16 =	sadd.s32 s4, s2;
	s17 =	sadd.s32 s14, s2;
	s14 =	simm.s32 $0x12A00  }
.LBB2_6:
0x1a: {  	_ =	swait.ge [sflag:s29], $0x5000  }
0x1b: {  	[sflag:s29] =	ssyncset.done $0x0  }
0x1c: {  	[sflag:s29] =	ssyncadd.s32 $0xFFFFB000  }
0x1d: {  	_ =	swait.ge [sflag:s30], $0x5000  }
0x1e: {  	[sflag:s30] =	ssyncset.done $0x0  }
0x1f: {  	s2 =	simm.s32 $0x7;
	[sflag:s30] =	ssyncadd.s32 $0xFFFFB000  }
0x20: {  	_ =	swait.ge [sflag:s2], $0x5000  }
0x21: {  	[sflag:s2] =	ssyncset.done $0x0  }
0x22: {  	s4 =	simm.s32 $0x8;
	[sflag:s2] =	ssyncadd.s32 $0xFFFFB000  }
0x23: {  	_ =	swait.ge [sflag:s4], $0x5000  }
0x24: {  	s19 =	rddreg [dreg:$0x6]  }
0x25: {  	s31 =	rddreg [dreg:$0x5];
	s19 =	sadd.s32 $0x1, s19  }
0x26: {  	p0 =	sne.s32 s19, s31  }
.Ltmp1:
0x27: {  	_ = 	snop;
	(pc) =	sbr.rel @!p0 .LBB2_7-.Ltmp1, $3  }
0x28: {  	_ =	sdelay $0x1  }
0x29: {  	[sflag:s4] =	ssyncset.done $0x0  }
0x2a: {  	[sflag:s4] =	ssyncadd.s32 $0xFFFFB000  }
.LBB2_1:
0x2b: {  	[dreg:$0x6] =	wrdreg s19  }
0x2c: {  	s2 =	rddreg [dreg:$0x4];
	s4 =	simm.s32 $0x80;
	s19 =	simm.s32 $0x9  }
0x2d: {  	[tilespmem:s3], [sflag:$0x9] =	stream.strided.gather [hbm4b:s2+s4], $0x200, s20, s4, $0x38;
	[tilespmem:$0x14200] =	vst v63  }
0x2e: {  	_ =	swait.ge [sflag:s19], $0x200  }
0x2f: {  	[sflag:s19] =	ssyncset.done $0x0  }
0x30: {  	[sflag:s19] =	ssyncadd.s32 $0xFFFFFE00  }
0x31: {  	v2 =	vld.msk [tilespmem:$0x0], $0xff;
	_ =	sdelay $0x4  }
0x32: {  	v3 =	vshrl.u32 v2, $0x3  }
0x33: {  	v3 =	vmul.u32 $0xA0, v3  }
0x34: {  	v2 =	vand.u32 $0x7, v2  }
0x35: {  	v2 =	vor.u32 v2, v3  }
0x36: {  	v2 =	vperm.xlane v2, v0;
	_ =	sdelay $0x1  }
0x37: {  	v2 =	vadd.s32 v1, v2;
	_ =	sdelay $0x4  }
0x38: {  	[tilespmem:s20], [sflag:$0x1] =	stream.indirect_vreg.gather [hbm4b:s1+s3], $0x80, v2, vm0, $0xb8;
	[tilespmem:$0x14200] =	vst v63  }
0x39: {  	s4 =	simm.s32 $0xA00  }
0x3a: {  	[tilespmem:s4], [sflag:$0x1] =	stream.indirect_vreg.gather [hbm4b:s5+s3], $0x80, v2, vm0, $0xb8;
	[tilespmem:$0x14200] =	vst v63  }
0x3b: {  	s19 =	simm.s32 $0x1200  }
0x3c: {  	[tilespmem:s19], [sflag:$0x1] =	stream.indirect_vreg.gather [hbm4b:s6+s3], $0x80, v2, vm0, $0xb8;
	[tilespmem:$0x14200] =	vst v63  }
0x3d: {  	s4 =	simm.s32 $0x1A00  }
0x3e: {  	[tilespmem:s4], [sflag:$0x1] =	stream.indirect_vreg.gather [hbm4b:s7+s3], $0x80, v2, vm0, $0xb8;
	[tilespmem:$0x14200] =	vst v63  }
0x3f: {  	s19 =	simm.s32 $0x2200  }
0x40: {  	[tilespmem:s19], [sflag:$0x1] =	stream.indirect_vreg.gather [hbm4b:s8+s3], $0x80, v2, vm0, $0xb8;
	[tilespmem:$0x14200] =	vst v63  }
0x41: {  	s4 =	simm.s32 $0x2A00  }
0x42: {  	[tilespmem:s4], [sflag:$0x1] =	stream.indirect_vreg.gather [hbm4b:s9+s3], $0x80, v2, vm0, $0xb8;
	[tilespmem:$0x14200] =	vst v63  }
0x43: {  	s19 =	simm.s32 $0x3200  }
0x44: {  	[tilespmem:s19], [sflag:$0x1] =	stream.indirect_vreg.gather [hbm4b:s10+s3], $0x80, v2, vm0, $0xb8;
	[tilespmem:$0x14200] =	vst v63  }
0x45: {  	s4 =	simm.s32 $0x3A00  }
0x46: {  	[tilespmem:s4], [sflag:$0x1] =	stream.indirect_vreg.gather [hbm4b:s11+s3], $0x80, v2, vm0, $0xb8;
	[tilespmem:$0x14200] =	vst v63  }
0x47: {  	s19 =	simm.s32 $0x4200  }
0x48: {  	[tilespmem:s19], [sflag:$0x1] =	stream.indirect_vreg.gather [hbm4b:s12+s3], $0x80, v2, vm0, $0xb8;
	[tilespmem:$0x14200] =	vst v63  }
0x49: {  	s4 =	simm.s32 $0x4A00  }
0x4a: {  	[tilespmem:s4], [sflag:$0x1] =	stream.indirect_vreg.gather [hbm4b:s13+s3], $0x80, v2, vm0, $0xb8;
	[tilespmem:$0x14200] =	vst v63  }
0x4b: {  	v2 =	vld.msk [tilespmem:$0x8], $0xff;
	_ =	sdelay $0x4  }
0x4c: {  	v3 =	vshrl.u32 v2, $0x3  }
0x4d: {  	v3 =	vmul.u32 $0xA0, v3  }
0x4e: {  	v2 =	vand.u32 $0x7, v2  }
0x4f: {  	v2 =	vor.u32 v2, v3  }
0x50: {  	v2 =	vperm.xlane v2, v0;
	_ =	sdelay $0x1  }
0x51: {  	v2 =	vadd.s32 v1, v2;
	_ =	sdelay $0x4  }
0x52: {  	[tilespmem:s0], [sflag:$0x2] =	stream.indirect_vreg.gather [hbm4b:s1+s3], $0x80, v2, vm0, $0xb8;
	[tilespmem:$0x14200] =	vst v63  }
0x53: {  	s19 =	simm.s32 $0x5A00  }
0x54: {  	[tilespmem:s19], [sflag:$0x2] =	stream.indirect_vreg.gather [hbm4b:s5+s3], $0x80, v2, vm0, $0xb8;
	[tilespmem:$0x14200] =	vst v63  }
0x55: {  	s4 =	simm.s32 $0x6200  }
0x56: {  	[tilespmem:s4], [sflag:$0x2] =	stream.indirect_vreg.gather [hbm4b:s6+s3], $0x80, v2, vm0, $0xb8;
	[tilespmem:$0x14200] =	vst v63  }
0x57: {  	s19 =	simm.s32 $0x6A00  }
0x58: {  	[tilespmem:s19], [sflag:$0x2] =	stream.indirect_vreg.gather [hbm4b:s7+s3], $0x80, v2, vm0, $0xb8;
	[tilespmem:$0x14200] =	vst v63  }
0x59: {  	s4 =	simm.s32 $0x7200  }
0x5a: {  	[tilespmem:s4], [sflag:$0x2] =	stream.indirect_vreg.gather [hbm4b:s8+s3], $0x80, v2, vm0, $0xb8;
	[tilespmem:$0x14200] =	vst v63  }
0x5b: {  	s19 =	simm.s32 $0x7A00  }
0x5c: {  	[tilespmem:s19], [sflag:$0x2] =	stream.indirect_vreg.gather [hbm4b:s9+s3], $0x80, v2, vm0, $0xb8;
	[tilespmem:$0x14200] =	vst v63  }
0x5d: {  	s4 =	simm.s32 $0x8200  }
0x5e: {  	[tilespmem:s4], [sflag:$0x2] =	stream.indirect_vreg.gather [hbm4b:s10+s3], $0x80, v2, vm0, $0xb8;
	[tilespmem:$0x14200] =	vst v63  }
0x5f: {  	s19 =	simm.s32 $0x8A00  }
0x60: {  	[tilespmem:s19], [sflag:$0x2] =	stream.indirect_vreg.gather [hbm4b:s11+s3], $0x80, v2, vm0, $0xb8;
	[tilespmem:$0x14200] =	vst v63  }
0x61: {  	s4 =	simm.s32 $0x9200  }
0x62: {  	[tilespmem:s4], [sflag:$0x2] =	stream.indirect_vreg.gather [hbm4b:s12+s3], $0x80, v2, vm0, $0xb8;
	[tilespmem:$0x14200] =	vst v63  }
0x63: {  	s19 =	simm.s32 $0x9A00  }
0x64: {  	[tilespmem:s19], [sflag:$0x2] =	stream.indirect_vreg.gather [hbm4b:s13+s3], $0x80, v2, vm0, $0xb8;
	[tilespmem:$0x14200] =	vst v63  }
0x65: {  	v2 =	vld.msk [tilespmem:$0x10], $0xff;
	_ =	sdelay $0x4  }
0x66: {  	v3 =	vshrl.u32 v2, $0x3  }
0x67: {  	v3 =	vmul.u32 $0xA0, v3  }
0x68: {  	v2 =	vand.u32 $0x7, v2  }
0x69: {  	v2 =	vor.u32 v2, v3  }
0x6a: {  	v2 =	vperm.xlane v2, v0;
	_ =	sdelay $0x1  }
0x6b: {  	v2 =	vadd.s32 v1, v2;
	_ =	sdelay $0x3  }
0x6c: {  	s4 =	simm.s32 $0xA200  }
0x6d: {  	[tilespmem:s4], [sflag:$0x3] =	stream.indirect_vreg.gather [hbm4b:s1+s3], $0x80, v2, vm0, $0xb8;
	[tilespmem:$0x14200] =	vst v63  }
0x6e: {  	s19 =	simm.s32 $0xAA00  }
0x6f: {  	[tilespmem:s19], [sflag:$0x3] =	stream.indirect_vreg.gather [hbm4b:s5+s3], $0x80, v2, vm0, $0xb8;
	[tilespmem:$0x14200] =	vst v63  }
0x70: {  	s4 =	simm.s32 $0xB200  }
0x71: {  	[tilespmem:s4], [sflag:$0x3] =	stream.indirect_vreg.gather [hbm4b:s6+s3], $0x80, v2, vm0, $0xb8;
	[tilespmem:$0x14200] =	vst v63  }
0x72: {  	s19 =	simm.s32 $0xBA00  }
0x73: {  	[tilespmem:s19], [sflag:$0x3] =	stream.indirect_vreg.gather [hbm4b:s7+s3], $0x80, v2, vm0, $0xb8;
	[tilespmem:$0x14200] =	vst v63  }
0x74: {  	s4 =	simm.s32 $0xC200  }
0x75: {  	[tilespmem:s4], [sflag:$0x3] =	stream.indirect_vreg.gather [hbm4b:s8+s3], $0x80, v2, vm0, $0xb8;
	[tilespmem:$0x14200] =	vst v63  }
0x76: {  	s19 =	simm.s32 $0xCA00  }
0x77: {  	[tilespmem:s19], [sflag:$0x3] =	stream.indirect_vreg.gather [hbm4b:s9+s3], $0x80, v2, vm0, $0xb8;
	[tilespmem:$0x14200] =	vst v63  }
0x78: {  	s4 =	simm.s32 $0xD200  }
0x79: {  	[tilespmem:s4], [sflag:$0x3] =	stream.indirect_vreg.gather [hbm4b:s10+s3], $0x80, v2, vm0, $0xb8;
	[tilespmem:$0x14200] =	vst v63  }
0x7a: {  	s19 =	simm.s32 $0xDA00  }
0x7b: {  	[tilespmem:s19], [sflag:$0x3] =	stream.indirect_vreg.gather [hbm4b:s11+s3], $0x80, v2, vm0, $0xb8;
	[tilespmem:$0x14200] =	vst v63  }
.Ltmp2:
0x7c: {  	_ = 	snop;
	(pc) =	sbr.rel .LBB2_2-.Ltmp2, $4  }
0x7d: {  	s4 =	simm.s32 $0xE200  }
0x7e: {  	[tilespmem:s4], [sflag:$0x3] =	stream.indirect_vreg.gather [hbm4b:s12+s3], $0x80, v2, vm0, $0xb8;
	[tilespmem:$0x14200] =	vst v63  }
0x7f: {  	s31 =	simm.s32 $0x30;
	s2 =	simm.s32 $0x0;
	s19 =	simm.s32 $0xEA00  }
0x80: {  	[tilespmem:s19], [sflag:$0x3] =	stream.indirect_vreg.gather [hbm4b:s13+s3], $0x80, v2, vm0, $0xb8;
	[tilespmem:$0x14200] =	vst v63  }
.LBB2_4:
0x81: {  	_ =	swait.ge [sflag:s24], $0x5000  }
0x82: {  	[sflag:s24] =	ssyncset.done $0x0  }
0x83: {  	[sflag:s24] =	ssyncadd.s32 $0xFFFFB000  }
0x84: {  	[hbm4b:s19+s3] =	stream.linear.scatter [tilespmem:s0], [sflag:$0x6], $0x5000, $0x38;
	[tilespmem:$0x14200] =	vst v63  }
.LBB2_5:
0x85: {  	_ =	swait.ge [sflag:s25], $0x5000  }
0x86: {  	[sflag:s25] =	ssyncset.done $0x0  }
0x87: {  	s19 =	sadd.s32 s2, s17;
	s4 =	simm.s32 $0xA200;
	[sflag:s25] =	ssyncadd.s32 $0xFFFFB000  }
0x88: {  	[hbm4b:s19+s3] =	stream.linear.scatter [tilespmem:s4], [sflag:$0x7], $0x5000, $0x38;
	[tilespmem:$0x14200] =	vst v63  }
0x89: {  	s19 =	simm.s32 @!p0 $0x7  }
0x8a: {  	_ =	swait.ge @!p0 [sflag:s19], $0x5000  }
0x8b: {  	[sflag:s19] =	ssyncset.done @!p0 $0x0  }
0x8c: {  	[sflag:s19] =	ssyncadd.s32 @!p0 $0xFFFFB000  }
0x8d: {  	v2 =	vld.msk @!p0 [tilespmem:s31+$0x0], $0xff;
	_ =	sdelay $0x4  }
0x8e: {  	v3 =	vshrl.u32 @!p0 v2, $0x3  }
0x8f: {  	v3 =	vmul.u32 @!p0 $0xA0, v3  }
0x90: {  	v4 =	vlaneseq.u32 @!p0;
	v2 =	vand.u32 @!p0 $0x7, v2  }
0x91: {  	v2 =	vor.u32 @!p0 v2, v3;
	v3 =	vand.u32 @!p0 $0x7, v4;
	v4 =	vshrl.u32 @!p0 v4, $0x3  }
0x92: {  	v2 =	vperm.xlane @!p0 v2, v3;
	v3 =	vmul.u32 @!p0 $0x8, v4;
	_ =	sdelay $0x1  }
0x93: {  	v2 =	vadd.s32 @!p0 v3, v2;
	_ =	sdelay $0x3  }
0x94: {  	vm1 =	vmmov @!p0 $0xffff;
	s4 =	simm.s32 @!p0 $0xA200;
	s19 =	simm.s32 @!p0 $0x0  }
0x95: {  	[tilespmem:s4], [sflag:$0x3] =	stream.indirect_vreg.gather @!p0 [hbm4b:s1+s19], $0x80, v2, vm1, $0xb8;
	[tilespmem:$0x14200] =	vst v63  }
0x96: {  	s4 =	simm.s32 @!p0 $0xAA00  }
0x97: {  	[tilespmem:s4], [sflag:$0x3] =	stream.indirect_vreg.gather @!p0 [hbm4b:s5+s19], $0x80, v2, vm1, $0xb8;
	[tilespmem:$0x14200] =	vst v63  }
0x98: {  	s4 =	simm.s32 @!p0 $0xB200  }
0x99: {  	[tilespmem:s4], [sflag:$0x3] =	stream.indirect_vreg.gather @!p0 [hbm4b:s6+s19], $0x80, v2, vm1, $0xb8;
	[tilespmem:$0x14200] =	vst v63  }
0x9a: {  	s4 =	simm.s32 @!p0 $0xBA00  }
0x9b: {  	[tilespmem:s4], [sflag:$0x3] =	stream.indirect_vreg.gather @!p0 [hbm4b:s7+s19], $0x80, v2, vm1, $0xb8;
	[tilespmem:$0x14200] =	vst v63  }
0x9c: {  	s4 =	simm.s32 @!p0 $0xC200  }
0x9d: {  	[tilespmem:s4], [sflag:$0x3] =	stream.indirect_vreg.gather @!p0 [hbm4b:s8+s19], $0x80, v2, vm1, $0xb8;
	[tilespmem:$0x14200] =	vst v63  }
0x9e: {  	s4 =	simm.s32 @!p0 $0xCA00  }
0x9f: {  	[tilespmem:s4], [sflag:$0x3] =	stream.indirect_vreg.gather @!p0 [hbm4b:s9+s19], $0x80, v2, vm1, $0xb8;
	[tilespmem:$0x14200] =	vst v63  }
0xa0: {  	s4 =	simm.s32 @!p0 $0xD200  }
0xa1: {  	[tilespmem:s4], [sflag:$0x3] =	stream.indirect_vreg.gather @!p0 [hbm4b:s10+s19], $0x80, v2, vm1, $0xb8;
	[tilespmem:$0x14200] =	vst v63  }
0xa2: {  	s4 =	simm.s32 @!p0 $0xDA00  }
0xa3: {  	[tilespmem:s4], [sflag:$0x3] =	stream.indirect_vreg.gather @!p0 [hbm4b:s11+s19], $0x80, v2, vm1, $0xb8;
	[tilespmem:$0x14200] =	vst v63  }
0xa4: {  	s4 =	simm.s32 @!p0 $0xE200  }
0xa5: {  	[tilespmem:s4], [sflag:$0x3] =	stream.indirect_vreg.gather @!p0 [hbm4b:s12+s19], $0x80, v2, vm1, $0xb8;
	[tilespmem:$0x14200] =	vst v63  }
0xa6: {  	s4 =	simm.s32 @!p0 $0xEA00  }
0xa7: {  	[tilespmem:s4], [sflag:$0x3] =	stream.indirect_vreg.gather @!p0 [hbm4b:s13+s19], $0x80, v2, vm1, $0xb8;
	[tilespmem:$0x14200] =	vst v63  }
0xa8: {  	s19 =	sadd.s32 s2, s15;
	s2 =	sadd.s32 $0x2800, s2  }
0xa9: {  	p0 =	sne.s32 s2, $0x28000  }
.Ltmp3:
0xaa: {  	_ = 	snop;
	(pc) =	sbr.rel @!p0 .LBB2_6-.Ltmp3, $4  }
0xab: {  	_ =	swait.ge [sflag:s26], $0x5000  }
0xac: {  	[sflag:s26] =	ssyncset.done $0x0  }
0xad: {  	s31 =	sadd.s32 $0x20, s31;
	[sflag:s26] =	ssyncadd.s32 $0xFFFFB000  }
0xae: {  	[hbm4b:s19+s3] =	stream.linear.scatter [tilespmem:s28], [sflag:$0x8], $0x5000, $0x38;
	[tilespmem:$0x14200] =	vst v63  }
.LBB2_2:
0xaf: {  	p0 =	seq.s32 s2, $0x0  }
0xb0: {  	s19 =	simm.s32 @!p0 $0x8  }
0xb1: {  	_ =	swait.ge @!p0 [sflag:s19], $0x5000  }
0xb2: {  	[sflag:s19] =	ssyncset.done @!p0 $0x0  }
0xb3: {  	[sflag:s19] =	ssyncadd.s32 @!p0 $0xFFFFB000  }
0xb4: {  	v2 =	vld.msk [tilespmem:s31+$0xFFFFFFE8], $0xff;
	_ =	sdelay $0x4  }
0xb5: {  	v3 =	vshrl.u32 v2, $0x3  }
0xb6: {  	v3 =	vmul.u32 $0xA0, v3  }
0xb7: {  	v2 =	vand.u32 $0x7, v2  }
0xb8: {  	v2 =	vor.u32 v2, v3  }
0xb9: {  	v2 =	vperm.xlane v2, v0;
	_ =	sdelay $0x1  }
0xba: {  	v2 =	vadd.s32 v1, v2;
	_ =	sdelay $0x4  }
0xbb: {  	[tilespmem:s28], [sflag:$0x4] =	stream.indirect_vreg.gather [hbm4b:s1+s3], $0x80, v2, vm0, $0xb8;
	[tilespmem:$0x14200] =	vst v63  }
0xbc: {  	s4 =	simm.s32 $0xFA00  }
0xbd: {  	[tilespmem:s4], [sflag:$0x4] =	stream.indirect_vreg.gather [hbm4b:s5+s3], $0x80, v2, vm0, $0xb8;
	[tilespmem:$0x14200] =	vst v63  }
0xbe: {  	s19 =	simm.s32 $0x10200  }
0xbf: {  	[tilespmem:s19], [sflag:$0x4] =	stream.indirect_vreg.gather [hbm4b:s6+s3], $0x80, v2, vm0, $0xb8;
	[tilespmem:$0x14200] =	vst v63  }
0xc0: {  	s19 =	simm.s32 $0x10A00  }
0xc1: {  	[tilespmem:s19], [sflag:$0x4] =	stream.indirect_vreg.gather [hbm4b:s7+s3], $0x80, v2, vm0, $0xb8;
	[tilespmem:$0x14200] =	vst v63  }
0xc2: {  	s19 =	simm.s32 $0x11200  }
0xc3: {  	[tilespmem:s19], [sflag:$0x4] =	stream.indirect_vreg.gather [hbm4b:s8+s3], $0x80, v2, vm0, $0xb8;
	[tilespmem:$0x14200] =	vst v63  }
0xc4: {  	s19 =	simm.s32 $0x11A00  }
0xc5: {  	[tilespmem:s19], [sflag:$0x4] =	stream.indirect_vreg.gather [hbm4b:s9+s3], $0x80, v2, vm0, $0xb8;
	[tilespmem:$0x14200] =	vst v63  }
0xc6: {  	s19 =	simm.s32 $0x12200  }
0xc7: {  	[tilespmem:s19], [sflag:$0x4] =	stream.indirect_vreg.gather [hbm4b:s10+s3], $0x80, v2, vm0, $0xb8;
	[tilespmem:$0x14200] =	vst v63  }
0xc8: {  	_ = 	snop  }
0xc9: {  	[tilespmem:s14], [sflag:$0x4] =	stream.indirect_vreg.gather [hbm4b:s11+s3], $0x80, v2, vm0, $0xb8;
	[tilespmem:$0x14200] =	vst v63  }
0xca: {  	_ = 	snop  }
0xcb: {  	[tilespmem:s21], [sflag:$0x4] =	stream.indirect_vreg.gather [hbm4b:s12+s3], $0x80, v2, vm0, $0xb8;
	[tilespmem:$0x14200] =	vst v63  }
0xcc: {  	p0 =	seq.s32 s2, $0x25800  }
0xcd: {  	[tilespmem:s22], [sflag:$0x4] =	stream.indirect_vreg.gather [hbm4b:s13+s3], $0x80, v2, vm0, $0xb8;
	[tilespmem:$0x14200] =	vst v63  }
.Ltmp4:
0xce: {  	_ = 	snop;
	(pc) =	sbr.rel @p0 .LBB2_4-.Ltmp4, $4  }
0xcf: {  	_ =	swait.ge [sflag:s23], $0x5000  }
0xd0: {  	[sflag:s23] =	ssyncset.done $0x0  }
0xd1: {  	s4 =	sadd.s32 s2, s18;
	s19 =	sadd.s32 s2, s16;
	[sflag:s23] =	ssyncadd.s32 $0xFFFFB000  }
0xd2: {  	[hbm4b:s4+s3] =	stream.linear.scatter [tilespmem:s20], [sflag:$0x5], $0x5000, $0x38;
	[tilespmem:$0x14200] =	vst v63  }
0xd3: {  	_ =	swait.ge [sflag:s29], $0x5000  }
0xd4: {  	[sflag:s29] =	ssyncset.done $0x0  }
0xd5: {  	[sflag:s29] =	ssyncadd.s32 $0xFFFFB000  }
0xd6: {  	v2 =	vld.msk [tilespmem:s31+$0xFFFFFFF0], $0xff;
	_ =	sdelay $0x4  }
0xd7: {  	v3 =	vshrl.u32 v2, $0x3  }
0xd8: {  	v3 =	vmul.u32 $0xA0, v3  }
0xd9: {  	v2 =	vand.u32 $0x7, v2  }
0xda: {  	v2 =	vor.u32 v2, v3  }
0xdb: {  	v2 =	vperm.xlane v2, v0;
	_ =	sdelay $0x1  }
0xdc: {  	v2 =	vadd.s32 v1, v2;
	_ =	sdelay $0x4  }
0xdd: {  	[tilespmem:s20], [sflag:$0x1] =	stream.indirect_vreg.gather [hbm4b:s1+s3], $0x80, v2, vm0, $0xb8;
	[tilespmem:$0x14200] =	vst v63  }
0xde: {  	s4 =	simm.s32 $0xA00  }
0xdf: {  	[tilespmem:s4], [sflag:$0x1] =	stream.indirect_vreg.gather [hbm4b:s5+s3], $0x80, v2, vm0, $0xb8;
	[tilespmem:$0x14200] =	vst v63  }
0xe0: {  	s4 =	simm.s32 $0x1200  }
0xe1: {  	[tilespmem:s4], [sflag:$0x1] =	stream.indirect_vreg.gather [hbm4b:s6+s3], $0x80, v2, vm0, $0xb8;
	[tilespmem:$0x14200] =	vst v63  }
0xe2: {  	s4 =	simm.s32 $0x1A00  }
0xe3: {  	[tilespmem:s4], [sflag:$0x1] =	stream.indirect_vreg.gather [hbm4b:s7+s3], $0x80, v2, vm0, $0xb8;
	[tilespmem:$0x14200] =	vst v63  }
0xe4: {  	s4 =	simm.s32 $0x2200  }
0xe5: {  	[tilespmem:s4], [sflag:$0x1] =	stream.indirect_vreg.gather [hbm4b:s8+s3], $0x80, v2, vm0, $0xb8;
	[tilespmem:$0x14200] =	vst v63  }
0xe6: {  	s4 =	simm.s32 $0x2A00  }
0xe7: {  	[tilespmem:s4], [sflag:$0x1] =	stream.indirect_vreg.gather [hbm4b:s9+s3], $0x80, v2, vm0, $0xb8;
	[tilespmem:$0x14200] =	vst v63  }
0xe8: {  	s4 =	simm.s32 $0x3200  }
0xe9: {  	[tilespmem:s4], [sflag:$0x1] =	stream.indirect_vreg.gather [hbm4b:s10+s3], $0x80, v2, vm0, $0xb8;
	[tilespmem:$0x14200] =	vst v63  }
0xea: {  	s4 =	simm.s32 $0x3A00  }
0xeb: {  	[tilespmem:s4], [sflag:$0x1] =	stream.indirect_vreg.gather [hbm4b:s11+s3], $0x80, v2, vm0, $0xb8;
	[tilespmem:$0x14200] =	vst v63  }
0xec: {  	s4 =	simm.s32 $0x4200  }
0xed: {  	[tilespmem:s4], [sflag:$0x1] =	stream.indirect_vreg.gather [hbm4b:s12+s3], $0x80, v2, vm0, $0xb8;
	[tilespmem:$0x14200] =	vst v63  }
0xee: {  	s4 =	simm.s32 $0x4A00  }
0xef: {  	[tilespmem:s4], [sflag:$0x1] =	stream.indirect_vreg.gather [hbm4b:s13+s3], $0x80, v2, vm0, $0xb8;
	[tilespmem:$0x14200] =	vst v63  }
0xf0: {  	_ =	swait.ge [sflag:s24], $0x5000  }
0xf1: {  	[sflag:s24] =	ssyncset.done $0x0  }
0xf2: {  	[sflag:s24] =	ssyncadd.s32 $0xFFFFB000  }
0xf3: {  	[hbm4b:s19+s3] =	stream.linear.scatter [tilespmem:s0], [sflag:$0x6], $0x5000, $0x38;
	[tilespmem:$0x14200] =	vst v63  }
0xf4: {  	_ =	swait.ge [sflag:s30], $0x5000  }
0xf5: {  	[sflag:s30] =	ssyncset.done $0x0  }
0xf6: {  	[sflag:s30] =	ssyncadd.s32 $0xFFFFB000  }
0xf7: {  	v2 =	vld.msk [tilespmem:s31+$0xFFFFFFF8], $0xff;
	_ =	sdelay $0x4  }
0xf8: {  	v3 =	vshrl.u32 v2, $0x3  }
0xf9: {  	v3 =	vmul.u32 $0xA0, v3  }
0xfa: {  	v2 =	vand.u32 $0x7, v2  }
0xfb: {  	v2 =	vor.u32 v2, v3  }
0xfc: {  	v2 =	vperm.xlane v2, v0;
	_ =	sdelay $0x1  }
0xfd: {  	v2 =	vadd.s32 v1, v2;
	_ =	sdelay $0x4  }
0xfe: {  	[tilespmem:s0], [sflag:$0x2] =	stream.indirect_vreg.gather [hbm4b:s1+s3], $0x80, v2, vm0, $0xb8;
	[tilespmem:$0x14200] =	vst v63  }
0xff: {  	s19 =	simm.s32 $0x5A00  }
0x100: {  	[tilespmem:s19], [sflag:$0x2] =	stream.indirect_vreg.gather [hbm4b:s5+s3], $0x80, v2, vm0, $0xb8;
	[tilespmem:$0x14200] =	vst v63  }
0x101: {  	s19 =	simm.s32 $0x6200  }
0x102: {  	[tilespmem:s19], [sflag:$0x2] =	stream.indirect_vreg.gather [hbm4b:s6+s3], $0x80, v2, vm0, $0xb8;
	[tilespmem:$0x14200] =	vst v63  }
0x103: {  	s19 =	simm.s32 $0x6A00  }
0x104: {  	[tilespmem:s19], [sflag:$0x2] =	stream.indirect_vreg.gather [hbm4b:s7+s3], $0x80, v2, vm0, $0xb8;
	[tilespmem:$0x14200] =	vst v63  }
0x105: {  	s19 =	simm.s32 $0x7200  }
0x106: {  	[tilespmem:s19], [sflag:$0x2] =	stream.indirect_vreg.gather [hbm4b:s8+s3], $0x80, v2, vm0, $0xb8;
	[tilespmem:$0x14200] =	vst v63  }
0x107: {  	s19 =	simm.s32 $0x7A00  }
0x108: {  	[tilespmem:s19], [sflag:$0x2] =	stream.indirect_vreg.gather [hbm4b:s9+s3], $0x80, v2, vm0, $0xb8;
	[tilespmem:$0x14200] =	vst v63  }
0x109: {  	s19 =	simm.s32 $0x8200  }
0x10a: {  	[tilespmem:s19], [sflag:$0x2] =	stream.indirect_vreg.gather [hbm4b:s10+s3], $0x80, v2, vm0, $0xb8;
	[tilespmem:$0x14200] =	vst v63  }
0x10b: {  	s19 =	simm.s32 $0x8A00  }
0x10c: {  	[tilespmem:s19], [sflag:$0x2] =	stream.indirect_vreg.gather [hbm4b:s11+s3], $0x80, v2, vm0, $0xb8;
	[tilespmem:$0x14200] =	vst v63  }
.Ltmp5:
0x10d: {  	_ = 	snop;
	(pc) =	sbr.rel .LBB2_5-.Ltmp5, $4  }
0x10e: {  	s19 =	simm.s32 $0x9200  }
0x10f: {  	[tilespmem:s19], [sflag:$0x2] =	stream.indirect_vreg.gather [hbm4b:s12+s3], $0x80, v2, vm0, $0xb8;
	[tilespmem:$0x14200] =	vst v63  }
0x110: {  	s19 =	simm.s32 $0x9A00  }
0x111: {  	[tilespmem:s19], [sflag:$0x2] =	stream.indirect_vreg.gather [hbm4b:s13+s3], $0x80, v2, vm0, $0xb8;
	[tilespmem:$0x14200] =	vst v63  }
.LBB2_7:
0x112: {  	_ =	sfence.sel $0x180000  }
0x113: {  	[bflag:$0x0] =	sbarrier.arrive $0xFFFF  }
0x114: {  	_ =	strace $0x90000047  }
0x115: {  	s0 =	stileid.u32;
	[bflag:$0x2] =	sbarrier.arrive $0xFFFF  }
0x116: {  	p0 =	sne.s32 s0, $0x0;
	s0 =	rddreg [dreg:$0x3]  }
0x117: {  	s0 =	sadd.s32 @!p0 $0x100000, s0  }
0x118: {  	[sflag:s0] =	ssyncadd.tile.s32 @!p0 $0x1;
	_ =	shalt  }
.Lfunc_end2:
_tile_overlayer_lowered:
.L_overlay_start_2:
0x119: {  	(tag) =	ssettag $0x2  }
0x11a: {  	s0 =	rddreg [dreg:$0x0];
	s2 =	stileid.u32  }
0x11b: {  	s1 =	rddreg [dreg:$0x1];
	p0 =	sne.s32 s2, $0x0  }
0x11c: {  	s3 =	rddreg [dreg:$0x2];
	[bflag:$0x3] =	sbarrier.arrive $0xFFFF;
	s2 =	simm.s32 @!p0 $0x1C09  }
0x11d: {  	[timem:s3], [sflag:s2] =	dma.local @!p0 [hbm:s0], s1  }
0x11e: {  	s0 =	simm.s32 @!p0 $0x9  }
0x11f: {  	_ =	swait.ge @!p0 [sflag:s0], s1  }
0x120: {  	s1 =	ssub.s32 @!p0 $0x0, s1;
	[sflag:s0] =	ssyncset.done @!p0 $0x0  }
0x121: {  	[sflag:s0] =	ssyncadd.s32 @!p0 s1  }
0x122: {  	[bflag:$0x3] =	sbarrier.arrive $0xFFFF  }
0x123: {  	_ =	shalt  }

</sc_bundles>
